<compile_context>
chip_gen: v7x
topology: tpu7x:2x2x1
jax: 0.10.2.dev20260603
libtpu: 0.0.44.dev20260713+nightly
codegen_flags: <defaults>
</compile_context>

<pallas_src>
import functools

import jax
import jax.numpy as jnp
from jax import lax
from jax.experimental import pallas as pl
from jax.experimental.pallas import tpu as pltpu
from jax.experimental.pallas import tpu_sc as plsc

_NUM_EMBEDDINGS = 1024
_EMBED_DIM = 768
_NUM_HEADS = 4
_DH = _EMBED_DIM // _NUM_HEADS
_COMMITMENT_COST = 0.25

_BLOCK = 512
_N = 9216

_NW = 32
_WPH = _NW // _NUM_HEADS
_ROWS_PER_W = _N // _WPH
_CHUNK = 128
_NCHUNK = _ROWS_PER_W // _CHUNK
_NBUF = 3


def _dist_kernel(x_ref, w_ref, codes_ref, loss_ref, b_scr):
    @pl.when(pl.program_id(0) == 0)
    def _():
        for h in range(_NUM_HEADS):
            wh = w_ref[h]
            b_scr[h] = jnp.sum(wh * wh, axis=1)[None, :]

    x = x_ref[...]
    acc = jnp.zeros((), dtype=jnp.float32)
    code_iota = jax.lax.broadcasted_iota(jnp.int32, (1, _NUM_EMBEDDINGS), 1)
    for h in range(_NUM_HEADS):
        xh = x[:, h * _DH:(h + 1) * _DH]
        wh = w_ref[h]
        m = jax.lax.dot_general(
            xh, wh, (((1,), (1,)), ((), ())),
            preferred_element_type=jnp.float32)
        a = jnp.sum(xh * xh, axis=1, keepdims=True)
        d = (a + b_scr[h]) - 2.0 * m
        dmin = jnp.min(d, axis=1, keepdims=True)
        idx = jnp.min(
            jnp.where(d == dmin, code_iota, _NUM_EMBEDDINGS),
            axis=1).astype(jnp.int32)
        codes_ref[h, :] = idx
        acc = acc + jnp.sum(dmin)
    loss_ref[...] = acc.reshape(1, 1, 1)


def _gather_kernel(w_hbm, codes_hbm, out_hbm, idx_v, rows_v,
                   g0, g1, g2, s0, s1, s2, isem):
    gsems = [g0, g1, g2]
    ssems = [s0, s1, s2]
    wid = lax.axis_index("s") * 2 + lax.axis_index("c")
    h = wid // _WPH
    i0 = (wid % _WPH) * _ROWS_PER_W
    icopies = [
        pltpu.async_copy(
            codes_hbm.at[h, pl.ds(i0 + j * _CHUNK, _CHUNK)],
            idx_v.at[j], isem)
        for j in range(_NCHUNK)
    ]
    for c in icopies:
        c.wait()
    gcopies = [None] * _NCHUNK
    for j in range(_NBUF):
        gcopies[j] = pltpu.async_copy(
            w_hbm.at[h].at[idx_v.at[j]], rows_v.at[j], gsems[j])
    for j in range(_NCHUNK):
        b = j % _NBUF
        gcopies[j].wait()
        out_cp = pltpu.async_copy(
            rows_v.at[b],
            out_hbm.at[pl.ds(i0 + j * _CHUNK, _CHUNK), h], ssems[b])
        if j + _NBUF < _NCHUNK:
            out_cp.wait()
            gcopies[j + _NBUF] = pltpu.async_copy(
                w_hbm.at[h].at[idx_v.at[j + _NBUF]], rows_v.at[b],
                gsems[b])
        else:
            out_cp.wait()


@jax.jit
def kernel(inputs, emb_weights):
    input_shape = inputs.shape
    x = inputs.reshape(_N, _EMBED_DIM)
    nblocks = _N // _BLOCK

    codes, loss_parts = pl.pallas_call(
        _dist_kernel,
        grid=(nblocks,),
        in_specs=[
            pl.BlockSpec((_BLOCK, _EMBED_DIM), lambda i: (i, 0)),
            pl.BlockSpec((_NUM_HEADS, _NUM_EMBEDDINGS, _DH),
                         lambda i: (0, 0, 0)),
        ],
        out_specs=[
            pl.BlockSpec((_NUM_HEADS, _BLOCK), lambda i: (0, i)),
            pl.BlockSpec((1, 1, 1), lambda i: (i, 0, 0)),
        ],
        out_shape=[
            jax.ShapeDtypeStruct((_NUM_HEADS, _N), jnp.int32),
            jax.ShapeDtypeStruct((nblocks, 1, 1), jnp.float32),
        ],
        scratch_shapes=[pltpu.VMEM((_NUM_HEADS, 1, _NUM_EMBEDDINGS),
                                   jnp.float32)],
        compiler_params=pltpu.CompilerParams(
            dimension_semantics=("arbitrary",)),
    )(x, emb_weights)

    mesh = plsc.VectorSubcoreMesh(core_axis_name="c", subcore_axis_name="s")
    gather = functools.partial(
        pl.kernel,
        mesh=mesh,
        out_type=jax.ShapeDtypeStruct((_N, _NUM_HEADS, _DH), jnp.float32),
        scratch_types=[
            pltpu.VMEM((_NCHUNK, _CHUNK), jnp.int32),
            pltpu.VMEM((_NBUF, _CHUNK, _DH), jnp.float32),
        ] + [pltpu.SemaphoreType.DMA] * 7,
        compiler_params=pltpu.CompilerParams(use_tc_tiling_on_sc=False),
    )(_gather_kernel)
    q = gather(emb_weights, codes)

    numel = _N * _EMBED_DIM
    loss = jnp.sum(loss_parts) * (_COMMITMENT_COST / numel)
    quantized = q.reshape(input_shape)
    vq_codes = codes.reshape(_NUM_HEADS, _N, 1)
    return loss, quantized, vq_codes

# --- scband reference (transcript-rebuilt; emitter-appended) ---
"""Pipeline reference for scband-vector-quantizer-multi-head-79267916415516 (READ-ONLY COPY).

The authoritative reference and input builder live on the scoring server;
editing this copy changes nothing except your own understanding.
"""

import jax, jax.numpy as jnp
import numpy as np

NUM_EMBEDDINGS = 1024
EMBED_DIM = 768
NUM_HEADS = 4
DH = EMBED_DIM // NUM_HEADS
COMMITMENT_COST = 0.25


def setup_inputs(seed: int = 0) -> dict:
    key = jax.random.key(seed)
    k1, k2 = jax.random.split(key)
    inputs = jax.random.normal(k1, (16, 576, 768), dtype=jnp.float32)
    # per-head codebooks, initialized normal_() as in torch
    emb_weights = jax.random.normal(k2, (NUM_HEADS, NUM_EMBEDDINGS, DH), dtype=jnp.float32)
    return {"inputs": inputs, "emb_weights": emb_weights}


def reference(inputs, emb_weights):
    # eval-mode forward (training EMA updates disabled), ema=True, residual=False,
    # code_offset=0, num_residual=0
    input_shape = inputs.shape
    flat_input = inputs.reshape(-1, NUM_HEADS, DH)
    quantized_list = []
    vq_codes = []
    for h in range(NUM_HEADS):
        x = flat_input[:, h, :]
        w = emb_weights[h]
        distances = (
            jnp.sum(x ** 2, axis=1, keepdims=True)
            + jnp.sum(w ** 2, axis=1)
            - 2.0 * jnp.matmul(x, w.T)
        )
        encoding_indices = jnp.argmin(distances, axis=1)
        vq_codes.append(encoding_indices[:, None])
        # encodings one-hot @ weight == gather of codebook rows
        this_quantized = jnp.take(w, encoding_indices, axis=0)
        quantized_list.append(this_quantized)
    quantized = jnp.concatenate(quantized_list, axis=1).reshape(input_shape)
    # ema=True -> q_latent_loss = 0
    e_latent_loss = jnp.mean((jax.lax.stop_gradient(quantized) - inputs) ** 2)
    loss = COMMITMENT_COST * e_latent_loss
    # straight-through estimator
    quantized = inputs + jax.lax.stop_gradient(quantized - inputs)
    return loss, quantized, jnp.stack(vq_codes)

if __name__ == "__main__":
    import jax
    _d = setup_inputs()
    print(jax.jit(kernel)(*tuple(_d.values())))

</pallas_src>

<mosaic_0001>
#map = affine_map<(d0, d1) -> (0, 0, 0)>
#map1 = affine_map<(d0, d1) -> (0, 0)>
module attributes {stable_mosaic.version = 14 : i64} {
  func.func @_gather_kernel(%arg0: i32, %arg1: i32, %arg2: memref<4x1024x192xf32, #tpu.memory_space<hbm>>, %arg3: memref<4x9216xi32, #tpu.memory_space<hbm>>, %arg4: memref<9216x4x192xf32, #tpu.memory_space<hbm>>, %arg5: memref<9x128xi32, #tpu.memory_space<vmem>>, %arg6: memref<3x128x192xf32, #tpu.memory_space<vmem>>, %arg7: memref<!tpu.dma_semaphore, #tpu.memory_space<semaphore_mem>>, %arg8: memref<!tpu.dma_semaphore, #tpu.memory_space<semaphore_mem>>, %arg9: memref<!tpu.dma_semaphore, #tpu.memory_space<semaphore_mem>>, %arg10: memref<!tpu.dma_semaphore, #tpu.memory_space<semaphore_mem>>, %arg11: memref<!tpu.dma_semaphore, #tpu.memory_space<semaphore_mem>>, %arg12: memref<!tpu.dma_semaphore, #tpu.memory_space<semaphore_mem>>, %arg13: memref<!tpu.dma_semaphore, #tpu.memory_space<semaphore_mem>>) attributes {dimension_semantics = [#tpu.dimension_semantics<core_parallel>, #tpu.dimension_semantics<subcore_parallel>], iteration_bounds = array<i64: 2, 16>, scalar_prefetch = 0 : i64, scratch_operands = 9 : i64, tpu.core_type = #tpu.core_type<sc_vector_subcore>, window_params = [{transform_indices = #map}, {transform_indices = #map1}, {transform_indices = #map}]} {
    %mul3A = arith.constant 2 : i32
    %mul3A_0 = arith.muli %arg1, %mul3A : i32
    %add3A = arith.addi %mul3A_0, %arg0 : i32
    %jit3A = arith.constant 8 : i32
    %div3A = arith.divsi %add3A, %jit3A : i32
    %sign3A = arith.constant 0 : i32
    %sign3A_1 = arith.cmpi sgt, %add3A, %sign3A : i32
    %sign3A_2 = arith.extui %sign3A_1 : i1 to i32
    %sign3A_3 = arith.constant 0 : i32
    %sign3A_4 = arith.cmpi slt, %add3A, %sign3A_3 : i32
    %sign3A_5 = arith.extui %sign3A_4 : i1 to i32
    %sign3A_6 = arith.subi %sign3A_2, %sign3A_5 : i32
    %sign3A_7 = arith.constant 0 : i32
    %sign3A_8 = arith.cmpi sgt, %jit3A, %sign3A_7 : i32
    %sign3A_9 = arith.extui %sign3A_8 : i1 to i32
    %sign3A_10 = arith.constant 0 : i32
    %sign3A_11 = arith.cmpi slt, %jit3A, %sign3A_10 : i32
    %sign3A_12 = arith.extui %sign3A_11 : i1 to i32
    %sign3A_13 = arith.subi %sign3A_9, %sign3A_12 : i32
    %ne3A = arith.cmpi ne, %sign3A_6, %sign3A_13 : i32
    %rem3A = arith.remsi %add3A, %jit3A : i32
    %ne3A_14 = arith.constant 0 : i32
    %ne3A_15 = arith.cmpi ne, %rem3A, %ne3A_14 : i32
    %and3A = arith.andi %ne3A, %ne3A_15 : i1
    %sub3A = arith.constant 1 : i32
    %sub3A_16 = arith.subi %div3A, %sub3A : i32
    %select_n3A = arith.select %and3A, %sub3A_16, %div3A : i32
    %jit3A_17 = arith.constant 8 : i32
    %eq3A = arith.constant 0 : i32
    %eq3A_18 = arith.cmpi eq, %jit3A_17, %eq3A : i32
    %jit3A_19 = arith.constant 1 : i32
    %select_n3A_20 = arith.select %eq3A_18, %jit3A_19, %jit3A_17 : i32
    %rem3A_21 = arith.remsi %add3A, %select_n3A_20 : i32
    %ne3A_22 = arith.constant 0 : i32
    %ne3A_23 = arith.cmpi ne, %rem3A_21, %ne3A_22 : i32
    %lt3A = arith.constant 0 : i32
    %lt3A_24 = arith.cmpi slt, %rem3A_21, %lt3A : i32
    %lt3A_25 = arith.constant 0 : i32
    %lt3A_26 = arith.cmpi slt, %select_n3A_20, %lt3A_25 : i32
    %ne3A_27 = arith.xori %lt3A_24, %lt3A_26 : i1
    %and3A_28 = arith.andi %ne3A_27, %ne3A_23 : i1
    %add3A_29 = arith.addi %rem3A_21, %select_n3A_20 : i32
    %select_n3A_30 = arith.select %and3A_28, %add3A_29, %rem3A_21 : i32
    %mul3A_31 = arith.constant 1152 : i32
    %mul3A_32 = arith.muli %select_n3A_30, %mul3A_31 : i32
    %add3A_33 = arith.constant 0 : i32
    %add3A_34 = arith.addi %mul3A_32, %add3A_33 : i32
    %dma_start3A = arith.constant 0 : i32
    %dma_start3A_35 = arith.constant 0 : i32
    %dma_start3A_36 = tpu.memref_slice %arg5[%dma_start3A, %dma_start3A_35] : memref<9x128xi32, #tpu.memory_space<vmem>> -> memref<1x128xi32, #tpu.memory_space<vmem>>
    %dma_start3A_37 = tpu.memref_squeeze %dma_start3A_36 : memref<1x128xi32, #tpu.memory_space<vmem>> -> memref<128xi32, #tpu.memory_space<vmem>>
    %dma_start3A_38 = tpu.memref_slice %arg3[%select_n3A, %add3A_34] : memref<4x9216xi32, #tpu.memory_space<hbm>> -> memref<1x128xi32, #tpu.memory_space<hbm>>
    %dma_start3A_39 = tpu.memref_squeeze %dma_start3A_38 : memref<1x128xi32, #tpu.memory_space<hbm>> -> memref<128xi32, #tpu.memory_space<hbm>>
    %dma_start3A_40 = arith.constant 0 : i32
    %dma_start3A_41 = tpu.memref_slice %arg5[%dma_start3A, %dma_start3A_40] : memref<9x128xi32, #tpu.memory_space<vmem>> -> memref<1x128xi32, #tpu.memory_space<vmem>>
    %dma_start3A_42 = tpu.memref_squeeze %dma_start3A_41 : memref<1x128xi32, #tpu.memory_space<vmem>> -> memref<128xi32, #tpu.memory_space<vmem>>
    %dma_start3A_43 = tpu.memref_slice %arg3[%select_n3A, %add3A_34] : memref<4x9216xi32, #tpu.memory_space<hbm>> -> memref<1x128xi32, #tpu.memory_space<hbm>>
    %dma_start3A_44 = tpu.memref_squeeze %dma_start3A_43 : memref<1x128xi32, #tpu.memory_space<hbm>> -> memref<128xi32, #tpu.memory_space<hbm>>
    tpu.enqueue_dma source(%dma_start3A_44 : memref<128xi32, #tpu.memory_space<hbm>>) target(%dma_start3A_42 : memref<128xi32, #tpu.memory_space<vmem>>) target_semaphore(%arg13 : memref<!tpu.dma_semaphore, #tpu.memory_space<semaphore_mem>>)
    %add3A_45 = arith.constant 128 : i32
    %add3A_46 = arith.addi %mul3A_32, %add3A_45 : i32
    %dma_start3A_47 = arith.constant 1 : i32
    %dma_start3A_48 = arith.constant 0 : i32
    %dma_start3A_49 = tpu.memref_slice %arg5[%dma_start3A_47, %dma_start3A_48] : memref<9x128xi32, #tpu.memory_space<vmem>> -> memref<1x128xi32, #tpu.memory_space<vmem>>
    %dma_start3A_50 = tpu.memref_squeeze %dma_start3A_49 : memref<1x128xi32, #tpu.memory_space<vmem>> -> memref<128xi32, #tpu.memory_space<vmem>>
    %dma_start3A_51 = tpu.memref_slice %arg3[%select_n3A, %add3A_46] : memref<4x9216xi32, #tpu.memory_space<hbm>> -> memref<1x128xi32, #tpu.memory_space<hbm>>
    %dma_start3A_52 = tpu.memref_squeeze %dma_start3A_51 : memref<1x128xi32, #tpu.memory_space<hbm>> -> memref<128xi32, #tpu.memory_space<hbm>>
    %dma_start3A_53 = arith.constant 0 : i32
    %dma_start3A_54 = tpu.memref_slice %arg5[%dma_start3A_47, %dma_start3A_53] : memref<9x128xi32, #tpu.memory_space<vmem>> -> memref<1x128xi32, #tpu.memory_space<vmem>>
    %dma_start3A_55 = tpu.memref_squeeze %dma_start3A_54 : memref<1x128xi32, #tpu.memory_space<vmem>> -> memref<128xi32, #tpu.memory_space<vmem>>
    %dma_start3A_56 = tpu.memref_slice %arg3[%select_n3A, %add3A_46] : memref<4x9216xi32, #tpu.memory_space<hbm>> -> memref<1x128xi32, #tpu.memory_space<hbm>>
    %dma_start3A_57 = tpu.memref_squeeze %dma_start3A_56 : memref<1x128xi32, #tpu.memory_space<hbm>> -> memref<128xi32, #tpu.memory_space<hbm>>
    tpu.enqueue_dma source(%dma_start3A_57 : memref<128xi32, #tpu.memory_space<hbm>>) target(%dma_start3A_55 : memref<128xi32, #tpu.memory_space<vmem>>) target_semaphore(%arg13 : memref<!tpu.dma_semaphore, #tpu.memory_space<semaphore_mem>>)
    %add3A_58 = arith.constant 256 : i32
    %add3A_59 = arith.addi %mul3A_32, %add3A_58 : i32
    %dma_start3A_60 = arith.constant 2 : i32
    %dma_start3A_61 = arith.constant 0 : i32
    %dma_start3A_62 = tpu.memref_slice %arg5[%dma_start3A_60, %dma_start3A_61] : memref<9x128xi32, #tpu.memory_space<vmem>> -> memref<1x128xi32, #tpu.memory_space<vmem>>
    %dma_start3A_63 = tpu.memref_squeeze %dma_start3A_62 : memref<1x128xi32, #tpu.memory_space<vmem>> -> memref<128xi32, #tpu.memory_space<vmem>>
    %dma_start3A_64 = tpu.memref_slice %arg3[%select_n3A, %add3A_59] : memref<4x9216xi32, #tpu.memory_space<hbm>> -> memref<1x128xi32, #tpu.memory_space<hbm>>
    %dma_start3A_65 = tpu.memref_squeeze %dma_start3A_64 : memref<1x128xi32, #tpu.memory_space<hbm>> -> memref<128xi32, #tpu.memory_space<hbm>>
    %dma_start3A_66 = arith.constant 0 : i32
    %dma_start3A_67 = tpu.memref_slice %arg5[%dma_start3A_60, %dma_start3A_66] : memref<9x128xi32, #tpu.memory_space<vmem>> -> memref<1x128xi32, #tpu.memory_space<vmem>>
    %dma_start3A_68 = tpu.memref_squeeze %dma_start3A_67 : memref<1x128xi32, #tpu.memory_space<vmem>> -> memref<128xi32, #tpu.memory_space<vmem>>
    %dma_start3A_69 = tpu.memref_slice %arg3[%select_n3A, %add3A_59] : memref<4x9216xi32, #tpu.memory_space<hbm>> -> memref<1x128xi32, #tpu.memory_space<hbm>>
    %dma_start3A_70 = tpu.memref_squeeze %dma_start3A_69 : memref<1x128xi32, #tpu.memory_space<hbm>> -> memref<128xi32, #tpu.memory_space<hbm>>
    tpu.enqueue_dma source(%dma_start3A_70 : memref<128xi32, #tpu.memory_space<hbm>>) target(%dma_start3A_68 : memref<128xi32, #tpu.memory_space<vmem>>) target_semaphore(%arg13 : memref<!tpu.dma_semaphore, #tpu.memory_space<semaphore_mem>>)
    %add3A_71 = arith.constant 384 : i32
    %add3A_72 = arith.addi %mul3A_32, %add3A_71 : i32
    %dma_start3A_73 = arith.constant 3 : i32
    %dma_start3A_74 = arith.constant 0 : i32
    %dma_start3A_75 = tpu.memref_slice %arg5[%dma_start3A_73, %dma_start3A_74] : memref<9x128xi32, #tpu.memory_space<vmem>> -> memref<1x128xi32, #tpu.memory_space<vmem>>
    %dma_start3A_76 = tpu.memref_squeeze %dma_start3A_75 : memref<1x128xi32, #tpu.memory_space<vmem>> -> memref<128xi32, #tpu.memory_space<vmem>>
    %dma_start3A_77 = tpu.memref_slice %arg3[%select_n3A, %add3A_72] : memref<4x9216xi32, #tpu.memory_space<hbm>> -> memref<1x128xi32, #tpu.memory_space<hbm>>
    %dma_start3A_78 = tpu.memref_squeeze %dma_start3A_77 : memref<1x128xi32, #tpu.memory_space<hbm>> -> memref<128xi32, #tpu.memory_space<hbm>>
    %dma_start3A_79 = arith.constant 0 : i32
    %dma_start3A_80 = tpu.memref_slice %arg5[%dma_start3A_73, %dma_start3A_79] : memref<9x128xi32, #tpu.memory_space<vmem>> -> memref<1x128xi32, #tpu.memory_space<vmem>>
    %dma_start3A_81 = tpu.memref_squeeze %dma_start3A_80 : memref<1x128xi32, #tpu.memory_space<vmem>> -> memref<128xi32, #tpu.memory_space<vmem>>
    %dma_start3A_82 = tpu.memref_slice %arg3[%select_n3A, %add3A_72] : memref<4x9216xi32, #tpu.memory_space<hbm>> -> memref<1x128xi32, #tpu.memory_space<hbm>>
    %dma_start3A_83 = tpu.memref_squeeze %dma_start3A_82 : memref<1x128xi32, #tpu.memory_space<hbm>> -> memref<128xi32, #tpu.memory_space<hbm>>
    tpu.enqueue_dma source(%dma_start3A_83 : memref<128xi32, #tpu.memory_space<hbm>>) target(%dma_start3A_81 : memref<128xi32, #tpu.memory_space<vmem>>) target_semaphore(%arg13 : memref<!tpu.dma_semaphore, #tpu.memory_space<semaphore_mem>>)
    %add3A_84 = arith.constant 512 : i32
    %add3A_85 = arith.addi %mul3A_32, %add3A_84 : i32
    %dma_start3A_86 = arith.constant 4 : i32
    %dma_start3A_87 = arith.constant 0 : i32
    %dma_start3A_88 = tpu.memref_slice %arg5[%dma_start3A_86, %dma_start3A_87] : memref<9x128xi32, #tpu.memory_space<vmem>> -> memref<1x128xi32, #tpu.memory_space<vmem>>
    %dma_start3A_89 = tpu.memref_squeeze %dma_start3A_88 : memref<1x128xi32, #tpu.memory_space<vmem>> -> memref<128xi32, #tpu.memory_space<vmem>>
    %dma_start3A_90 = tpu.memref_slice %arg3[%select_n3A, %add3A_85] : memref<4x9216xi32, #tpu.memory_space<hbm>> -> memref<1x128xi32, #tpu.memory_space<hbm>>
    %dma_start3A_91 = tpu.memref_squeeze %dma_start3A_90 : memref<1x128xi32, #tpu.memory_space<hbm>> -> memref<128xi32, #tpu.memory_space<hbm>>
    %dma_start3A_92 = arith.constant 0 : i32
    %dma_start3A_93 = tpu.memref_slice %arg5[%dma_start3A_86, %dma_start3A_92] : memref<9x128xi32, #tpu.memory_space<vmem>> -> memref<1x128xi32, #tpu.memory_space<vmem>>
    %dma_start3A_94 = tpu.memref_squeeze %dma_start3A_93 : memref<1x128xi32, #tpu.memory_space<vmem>> -> memref<128xi32, #tpu.memory_space<vmem>>
    %dma_start3A_95 = tpu.memref_slice %arg3[%select_n3A, %add3A_85] : memref<4x9216xi32, #tpu.memory_space<hbm>> -> memref<1x128xi32, #tpu.memory_space<hbm>>
    %dma_start3A_96 = tpu.memref_squeeze %dma_start3A_95 : memref<1x128xi32, #tpu.memory_space<hbm>> -> memref<128xi32, #tpu.memory_space<hbm>>
    tpu.enqueue_dma source(%dma_start3A_96 : memref<128xi32, #tpu.memory_space<hbm>>) target(%dma_start3A_94 : memref<128xi32, #tpu.memory_space<vmem>>) target_semaphore(%arg13 : memref<!tpu.dma_semaphore, #tpu.memory_space<semaphore_mem>>)
    %add3A_97 = arith.constant 640 : i32
    %add3A_98 = arith.addi %mul3A_32, %add3A_97 : i32
    %dma_start3A_99 = arith.constant 5 : i32
    %dma_start3A_100 = arith.constant 0 : i32
    %dma_start3A_101 = tpu.memref_slice %arg5[%dma_start3A_99, %dma_start3A_100] : memref<9x128xi32, #tpu.memory_space<vmem>> -> memref<1x128xi32, #tpu.memory_space<vmem>>
    %dma_start3A_102 = tpu.memref_squeeze %dma_start3A_101 : memref<1x128xi32, #tpu.memory_space<vmem>> -> memref<128xi32, #tpu.memory_space<vmem>>
    %dma_start3A_103 = tpu.memref_slice %arg3[%select_n3A, %add3A_98] : memref<4x9216xi32, #tpu.memory_space<hbm>> -> memref<1x128xi32, #tpu.memory_space<hbm>>
    %dma_start3A_104 = tpu.memref_squeeze %dma_start3A_103 : memref<1x128xi32, #tpu.memory_space<hbm>> -> memref<128xi32, #tpu.memory_space<hbm>>
    %dma_start3A_105 = arith.constant 0 : i32
    %dma_start3A_106 = tpu.memref_slice %arg5[%dma_start3A_99, %dma_start3A_105] : memref<9x128xi32, #tpu.memory_space<vmem>> -> memref<1x128xi32, #tpu.memory_space<vmem>>
    %dma_start3A_107 = tpu.memref_squeeze %dma_start3A_106 : memref<1x128xi32, #tpu.memory_space<vmem>> -> memref<128xi32, #tpu.memory_space<vmem>>
    %dma_start3A_108 = tpu.memref_slice %arg3[%select_n3A, %add3A_98] : memref<4x9216xi32, #tpu.memory_space<hbm>> -> memref<1x128xi32, #tpu.memory_space<hbm>>
    %dma_start3A_109 = tpu.memref_squeeze %dma_start3A_108 : memref<1x128xi32, #tpu.memory_space<hbm>> -> memref<128xi32, #tpu.memory_space<hbm>>
    tpu.enqueue_dma source(%dma_start3A_109 : memref<128xi32, #tpu.memory_space<hbm>>) target(%dma_start3A_107 : memref<128xi32, #tpu.memory_space<vmem>>) target_semaphore(%arg13 : memref<!tpu.dma_semaphore, #tpu.memory_space<semaphore_mem>>)
    %add3A_110 = arith.constant 768 : i32
    %add3A_111 = arith.addi %mul3A_32, %add3A_110 : i32
    %dma_start3A_112 = arith.constant 6 : i32
    %dma_start3A_113 = arith.constant 0 : i32
    %dma_start3A_114 = tpu.memref_slice %arg5[%dma_start3A_112, %dma_start3A_113] : memref<9x128xi32, #tpu.memory_space<vmem>> -> memref<1x128xi32, #tpu.memory_space<vmem>>
    %dma_start3A_115 = tpu.memref_squeeze %dma_start3A_114 : memref<1x128xi32, #tpu.memory_space<vmem>> -> memref<128xi32, #tpu.memory_space<vmem>>
    %dma_start3A_116 = tpu.memref_slice %arg3[%select_n3A, %add3A_111] : memref<4x9216xi32, #tpu.memory_space<hbm>> -> memref<1x128xi32, #tpu.memory_space<hbm>>
    %dma_start3A_117 = tpu.memref_squeeze %dma_start3A_116 : memref<1x128xi32, #tpu.memory_space<hbm>> -> memref<128xi32, #tpu.memory_space<hbm>>
    %dma_start3A_118 = arith.constant 0 : i32
    %dma_start3A_119 = tpu.memref_slice %arg5[%dma_start3A_112, %dma_start3A_118] : memref<9x128xi32, #tpu.memory_space<vmem>> -> memref<1x128xi32, #tpu.memory_space<vmem>>
    %dma_start3A_120 = tpu.memref_squeeze %dma_start3A_119 : memref<1x128xi32, #tpu.memory_space<vmem>> -> memref<128xi32, #tpu.memory_space<vmem>>
    %dma_start3A_121 = tpu.memref_slice %arg3[%select_n3A, %add3A_111] : memref<4x9216xi32, #tpu.memory_space<hbm>> -> memref<1x128xi32, #tpu.memory_space<hbm>>
    %dma_start3A_122 = tpu.memref_squeeze %dma_start3A_121 : memref<1x128xi32, #tpu.memory_space<hbm>> -> memref<128xi32, #tpu.memory_space<hbm>>
    tpu.enqueue_dma source(%dma_start3A_122 : memref<128xi32, #tpu.memory_space<hbm>>) target(%dma_start3A_120 : memref<128xi32, #tpu.memory_space<vmem>>) target_semaphore(%arg13 : memref<!tpu.dma_semaphore, #tpu.memory_space<semaphore_mem>>)
    %add3A_123 = arith.constant 896 : i32
    %add3A_124 = arith.addi %mul3A_32, %add3A_123 : i32
    %dma_start3A_125 = arith.constant 7 : i32
    %dma_start3A_126 = arith.constant 0 : i32
    %dma_start3A_127 = tpu.memref_slice %arg5[%dma_start3A_125, %dma_start3A_126] : memref<9x128xi32, #tpu.memory_space<vmem>> -> memref<1x128xi32, #tpu.memory_space<vmem>>
    %dma_start3A_128 = tpu.memref_squeeze %dma_start3A_127 : memref<1x128xi32, #tpu.memory_space<vmem>> -> memref<128xi32, #tpu.memory_space<vmem>>
    %dma_start3A_129 = tpu.memref_slice %arg3[%select_n3A, %add3A_124] : memref<4x9216xi32, #tpu.memory_space<hbm>> -> memref<1x128xi32, #tpu.memory_space<hbm>>
    %dma_start3A_130 = tpu.memref_squeeze %dma_start3A_129 : memref<1x128xi32, #tpu.memory_space<hbm>> -> memref<128xi32, #tpu.memory_space<hbm>>
    %dma_start3A_131 = arith.constant 0 : i32
    %dma_start3A_132 = tpu.memref_slice %arg5[%dma_start3A_125, %dma_start3A_131] : memref<9x128xi32, #tpu.memory_space<vmem>> -> memref<1x128xi32, #tpu.memory_space<vmem>>
    %dma_start3A_133 = tpu.memref_squeeze %dma_start3A_132 : memref<1x128xi32, #tpu.memory_space<vmem>> -> memref<128xi32, #tpu.memory_space<vmem>>
    %dma_start3A_134 = tpu.memref_slice %arg3[%select_n3A, %add3A_124] : memref<4x9216xi32, #tpu.memory_space<hbm>> -> memref<1x128xi32, #tpu.memory_space<hbm>>
    %dma_start3A_135 = tpu.memref_squeeze %dma_start3A_134 : memref<1x128xi32, #tpu.memory_space<hbm>> -> memref<128xi32, #tpu.memory_space<hbm>>
    tpu.enqueue_dma source(%dma_start3A_135 : memref<128xi32, #tpu.memory_space<hbm>>) target(%dma_start3A_133 : memref<128xi32, #tpu.memory_space<vmem>>) target_semaphore(%arg13 : memref<!tpu.dma_semaphore, #tpu.memory_space<semaphore_mem>>)
    %add3A_136 = arith.constant 1024 : i32
    %add3A_137 = arith.addi %mul3A_32, %add3A_136 : i32
    %dma_start3A_138 = arith.constant 8 : i32
    %dma_start3A_139 = arith.constant 0 : i32
    %dma_start3A_140 = tpu.memref_slice %arg5[%dma_start3A_138, %dma_start3A_139] : memref<9x128xi32, #tpu.memory_space<vmem>> -> memref<1x128xi32, #tpu.memory_space<vmem>>
    %dma_start3A_141 = tpu.memref_squeeze %dma_start3A_140 : memref<1x128xi32, #tpu.memory_space<vmem>> -> memref<128xi32, #tpu.memory_space<vmem>>
    %dma_start3A_142 = tpu.memref_slice %arg3[%select_n3A, %add3A_137] : memref<4x9216xi32, #tpu.memory_space<hbm>> -> memref<1x128xi32, #tpu.memory_space<hbm>>
    %dma_start3A_143 = tpu.memref_squeeze %dma_start3A_142 : memref<1x128xi32, #tpu.memory_space<hbm>> -> memref<128xi32, #tpu.memory_space<hbm>>
    %dma_start3A_144 = arith.constant 0 : i32
    %dma_start3A_145 = tpu.memref_slice %arg5[%dma_start3A_138, %dma_start3A_144] : memref<9x128xi32, #tpu.memory_space<vmem>> -> memref<1x128xi32, #tpu.memory_space<vmem>>
    %dma_start3A_146 = tpu.memref_squeeze %dma_start3A_145 : memref<1x128xi32, #tpu.memory_space<vmem>> -> memref<128xi32, #tpu.memory_space<vmem>>
    %dma_start3A_147 = tpu.memref_slice %arg3[%select_n3A, %add3A_137] : memref<4x9216xi32, #tpu.memory_space<hbm>> -> memref<1x128xi32, #tpu.memory_space<hbm>>
    %dma_start3A_148 = tpu.memref_squeeze %dma_start3A_147 : memref<1x128xi32, #tpu.memory_space<hbm>> -> memref<128xi32, #tpu.memory_space<hbm>>
    tpu.enqueue_dma source(%dma_start3A_148 : memref<128xi32, #tpu.memory_space<hbm>>) target(%dma_start3A_146 : memref<128xi32, #tpu.memory_space<vmem>>) target_semaphore(%arg13 : memref<!tpu.dma_semaphore, #tpu.memory_space<semaphore_mem>>)
    %dma_wait3A = arith.constant 0 : i32
    %dma_wait3A_149 = arith.constant 0 : i32
    %dma_wait3A_150 = tpu.memref_slice %arg5[%dma_wait3A, %dma_wait3A_149] : memref<9x128xi32, #tpu.memory_space<vmem>> -> memref<1x128xi32, #tpu.memory_space<vmem>>
    %dma_wait3A_151 = tpu.memref_squeeze %dma_wait3A_150 : memref<1x128xi32, #tpu.memory_space<vmem>> -> memref<128xi32, #tpu.memory_space<vmem>>
    %dma_wait3A_152 = tpu.memref_slice %arg3[%select_n3A, %add3A_34] : memref<4x9216xi32, #tpu.memory_space<hbm>> -> memref<1x128xi32, #tpu.memory_space<hbm>>
    %dma_wait3A_153 = tpu.memref_squeeze %dma_wait3A_152 : memref<1x128xi32, #tpu.memory_space<hbm>> -> memref<128xi32, #tpu.memory_space<hbm>>
    %dma_wait3A_154 = arith.constant 0 : i32
    %dma_wait3A_155 = tpu.memref_slice %arg5[%dma_wait3A, %dma_wait3A_154] : memref<9x128xi32, #tpu.memory_space<vmem>> -> memref<1x128xi32, #tpu.memory_space<vmem>>
    %dma_wait3A_156 = tpu.memref_squeeze %dma_wait3A_155 : memref<1x128xi32, #tpu.memory_space<vmem>> -> memref<128xi32, #tpu.memory_space<vmem>>
    %dma_wait3A_157 = tpu.memref_slice %arg3[%select_n3A, %add3A_34] : memref<4x9216xi32, #tpu.memory_space<hbm>> -> memref<1x128xi32, #tpu.memory_space<hbm>>
    %dma_wait3A_158 = tpu.memref_squeeze %dma_wait3A_157 : memref<1x128xi32, #tpu.memory_space<hbm>> -> memref<128xi32, #tpu.memory_space<hbm>>
    tpu.wait_dma2 semaphore(%arg13 : memref<!tpu.dma_semaphore, #tpu.memory_space<semaphore_mem>>) src(%dma_wait3A_158 : memref<128xi32, #tpu.memory_space<hbm>>) dst(%dma_wait3A_156 : memref<128xi32, #tpu.memory_space<vmem>>)
    %dma_wait3A_159 = arith.constant 1 : i32
    %dma_wait3A_160 = arith.constant 0 : i32
    %dma_wait3A_161 = tpu.memref_slice %arg5[%dma_wait3A_159, %dma_wait3A_160] : memref<9x128xi32, #tpu.memory_space<vmem>> -> memref<1x128xi32, #tpu.memory_space<vmem>>
    %dma_wait3A_162 = tpu.memref_squeeze %dma_wait3A_161 : memref<1x128xi32, #tpu.memory_space<vmem>> -> memref<128xi32, #tpu.memory_space<vmem>>
    %dma_wait3A_163 = tpu.memref_slice %arg3[%select_n3A, %add3A_46] : memref<4x9216xi32, #tpu.memory_space<hbm>> -> memref<1x128xi32, #tpu.memory_space<hbm>>
    %dma_wait3A_164 = tpu.memref_squeeze %dma_wait3A_163 : memref<1x128xi32, #tpu.memory_space<hbm>> -> memref<128xi32, #tpu.memory_space<hbm>>
    %dma_wait3A_165 = arith.constant 0 : i32
    %dma_wait3A_166 = tpu.memref_slice %arg5[%dma_wait3A_159, %dma_wait3A_165] : memref<9x128xi32, #tpu.memory_space<vmem>> -> memref<1x128xi32, #tpu.memory_space<vmem>>
    %dma_wait3A_167 = tpu.memref_squeeze %dma_wait3A_166 : memref<1x128xi32, #tpu.memory_space<vmem>> -> memref<128xi32, #tpu.memory_space<vmem>>
    %dma_wait3A_168 = tpu.memref_slice %arg3[%select_n3A, %add3A_46] : memref<4x9216xi32, #tpu.memory_space<hbm>> -> memref<1x128xi32, #tpu.memory_space<hbm>>
    %dma_wait3A_169 = tpu.memref_squeeze %dma_wait3A_168 : memref<1x128xi32, #tpu.memory_space<hbm>> -> memref<128xi32, #tpu.memory_space<hbm>>
    tpu.wait_dma2 semaphore(%arg13 : memref<!tpu.dma_semaphore, #tpu.memory_space<semaphore_mem>>) src(%dma_wait3A_169 : memref<128xi32, #tpu.memory_space<hbm>>) dst(%dma_wait3A_167 : memref<128xi32, #tpu.memory_space<vmem>>)
    %dma_wait3A_170 = arith.constant 2 : i32
    %dma_wait3A_171 = arith.constant 0 : i32
    %dma_wait3A_172 = tpu.memref_slice %arg5[%dma_wait3A_170, %dma_wait3A_171] : memref<9x128xi32, #tpu.memory_space<vmem>> -> memref<1x128xi32, #tpu.memory_space<vmem>>
    %dma_wait3A_173 = tpu.memref_squeeze %dma_wait3A_172 : memref<1x128xi32, #tpu.memory_space<vmem>> -> memref<128xi32, #tpu.memory_space<vmem>>
    %dma_wait3A_174 = tpu.memref_slice %arg3[%select_n3A, %add3A_59] : memref<4x9216xi32, #tpu.memory_space<hbm>> -> memref<1x128xi32, #tpu.memory_space<hbm>>
    %dma_wait3A_175 = tpu.memref_squeeze %dma_wait3A_174 : memref<1x128xi32, #tpu.memory_space<hbm>> -> memref<128xi32, #tpu.memory_space<hbm>>
    %dma_wait3A_176 = arith.constant 0 : i32
    %dma_wait3A_177 = tpu.memref_slice %arg5[%dma_wait3A_170, %dma_wait3A_176] : memref<9x128xi32, #tpu.memory_space<vmem>> -> memref<1x128xi32, #tpu.memory_space<vmem>>
    %dma_wait3A_178 = tpu.memref_squeeze %dma_wait3A_177 : memref<1x128xi32, #tpu.memory_space<vmem>> -> memref<128xi32, #tpu.memory_space<vmem>>
    %dma_wait3A_179 = tpu.memref_slice %arg3[%select_n3A, %add3A_59] : memref<4x9216xi32, #tpu.memory_space<hbm>> -> memref<1x128xi32, #tpu.memory_space<hbm>>
    %dma_wait3A_180 = tpu.memref_squeeze %dma_wait3A_179 : memref<1x128xi32, #tpu.memory_space<hbm>> -> memref<128xi32, #tpu.memory_space<hbm>>
    tpu.wait_dma2 semaphore(%arg13 : memref<!tpu.dma_semaphore, #tpu.memory_space<semaphore_mem>>) src(%dma_wait3A_180 : memref<128xi32, #tpu.memory_space<hbm>>) dst(%dma_wait3A_178 : memref<128xi32, #tpu.memory_space<vmem>>)
    %dma_wait3A_181 = arith.constant 3 : i32
    %dma_wait3A_182 = arith.constant 0 : i32
    %dma_wait3A_183 = tpu.memref_slice %arg5[%dma_wait3A_181, %dma_wait3A_182] : memref<9x128xi32, #tpu.memory_space<vmem>> -> memref<1x128xi32, #tpu.memory_space<vmem>>
    %dma_wait3A_184 = tpu.memref_squeeze %dma_wait3A_183 : memref<1x128xi32, #tpu.memory_space<vmem>> -> memref<128xi32, #tpu.memory_space<vmem>>
    %dma_wait3A_185 = tpu.memref_slice %arg3[%select_n3A, %add3A_72] : memref<4x9216xi32, #tpu.memory_space<hbm>> -> memref<1x128xi32, #tpu.memory_space<hbm>>
    %dma_wait3A_186 = tpu.memref_squeeze %dma_wait3A_185 : memref<1x128xi32, #tpu.memory_space<hbm>> -> memref<128xi32, #tpu.memory_space<hbm>>
    %dma_wait3A_187 = arith.constant 0 : i32
    %dma_wait3A_188 = tpu.memref_slice %arg5[%dma_wait3A_181, %dma_wait3A_187] : memref<9x128xi32, #tpu.memory_space<vmem>> -> memref<1x128xi32, #tpu.memory_space<vmem>>
    %dma_wait3A_189 = tpu.memref_squeeze %dma_wait3A_188 : memref<1x128xi32, #tpu.memory_space<vmem>> -> memref<128xi32, #tpu.memory_space<vmem>>
    %dma_wait3A_190 = tpu.memref_slice %arg3[%select_n3A, %add3A_72] : memref<4x9216xi32, #tpu.memory_space<hbm>> -> memref<1x128xi32, #tpu.memory_space<hbm>>
    %dma_wait3A_191 = tpu.memref_squeeze %dma_wait3A_190 : memref<1x128xi32, #tpu.memory_space<hbm>> -> memref<128xi32, #tpu.memory_space<hbm>>
    tpu.wait_dma2 semaphore(%arg13 : memref<!tpu.dma_semaphore, #tpu.memory_space<semaphore_mem>>) src(%dma_wait3A_191 : memref<128xi32, #tpu.memory_space<hbm>>) dst(%dma_wait3A_189 : memref<128xi32, #tpu.memory_space<vmem>>)
    %dma_wait3A_192 = arith.constant 4 : i32
    %dma_wait3A_193 = arith.constant 0 : i32
    %dma_wait3A_194 = tpu.memref_slice %arg5[%dma_wait3A_192, %dma_wait3A_193] : memref<9x128xi32, #tpu.memory_space<vmem>> -> memref<1x128xi32, #tpu.memory_space<vmem>>
    %dma_wait3A_195 = tpu.memref_squeeze %dma_wait3A_194 : memref<1x128xi32, #tpu.memory_space<vmem>> -> memref<128xi32, #tpu.memory_space<vmem>>
    %dma_wait3A_196 = tpu.memref_slice %arg3[%select_n3A, %add3A_85] : memref<4x9216xi32, #tpu.memory_space<hbm>> -> memref<1x128xi32, #tpu.memory_space<hbm>>
    %dma_wait3A_197 = tpu.memref_squeeze %dma_wait3A_196 : memref<1x128xi32, #tpu.memory_space<hbm>> -> memref<128xi32, #tpu.memory_space<hbm>>
    %dma_wait3A_198 = arith.constant 0 : i32
    %dma_wait3A_199 = tpu.memref_slice %arg5[%dma_wait3A_192, %dma_wait3A_198] : memref<9x128xi32, #tpu.memory_space<vmem>> -> memref<1x128xi32, #tpu.memory_space<vmem>>
    %dma_wait3A_200 = tpu.memref_squeeze %dma_wait3A_199 : memref<1x128xi32, #tpu.memory_space<vmem>> -> memref<128xi32, #tpu.memory_space<vmem>>
    %dma_wait3A_201 = tpu.memref_slice %arg3[%select_n3A, %add3A_85] : memref<4x9216xi32, #tpu.memory_space<hbm>> -> memref<1x128xi32, #tpu.memory_space<hbm>>
    %dma_wait3A_202 = tpu.memref_squeeze %dma_wait3A_201 : memref<1x128xi32, #tpu.memory_space<hbm>> -> memref<128xi32, #tpu.memory_space<hbm>>
    tpu.wait_dma2 semaphore(%arg13 : memref<!tpu.dma_semaphore, #tpu.memory_space<semaphore_mem>>) src(%dma_wait3A_202 : memref<128xi32, #tpu.memory_space<hbm>>) dst(%dma_wait3A_200 : memref<128xi32, #tpu.memory_space<vmem>>)
    %dma_wait3A_203 = arith.constant 5 : i32
    %dma_wait3A_204 = arith.constant 0 : i32
    %dma_wait3A_205 = tpu.memref_slice %arg5[%dma_wait3A_203, %dma_wait3A_204] : memref<9x128xi32, #tpu.memory_space<vmem>> -> memref<1x128xi32, #tpu.memory_space<vmem>>
    %dma_wait3A_206 = tpu.memref_squeeze %dma_wait3A_205 : memref<1x128xi32, #tpu.memory_space<vmem>> -> memref<128xi32, #tpu.memory_space<vmem>>
    %dma_wait3A_207 = tpu.memref_slice %arg3[%select_n3A, %add3A_98] : memref<4x9216xi32, #tpu.memory_space<hbm>> -> memref<1x128xi32, #tpu.memory_space<hbm>>
    %dma_wait3A_208 = tpu.memref_squeeze %dma_wait3A_207 : memref<1x128xi32, #tpu.memory_space<hbm>> -> memref<128xi32, #tpu.memory_space<hbm>>
    %dma_wait3A_209 = arith.constant 0 : i32
    %dma_wait3A_210 = tpu.memref_slice %arg5[%dma_wait3A_203, %dma_wait3A_209] : memref<9x128xi32, #tpu.memory_space<vmem>> -> memref<1x128xi32, #tpu.memory_space<vmem>>
    %dma_wait3A_211 = tpu.memref_squeeze %dma_wait3A_210 : memref<1x128xi32, #tpu.memory_space<vmem>> -> memref<128xi32, #tpu.memory_space<vmem>>
    %dma_wait3A_212 = tpu.memref_slice %arg3[%select_n3A, %add3A_98] : memref<4x9216xi32, #tpu.memory_space<hbm>> -> memref<1x128xi32, #tpu.memory_space<hbm>>
    %dma_wait3A_213 = tpu.memref_squeeze %dma_wait3A_212 : memref<1x128xi32, #tpu.memory_space<hbm>> -> memref<128xi32, #tpu.memory_space<hbm>>
    tpu.wait_dma2 semaphore(%arg13 : memref<!tpu.dma_semaphore, #tpu.memory_space<semaphore_mem>>) src(%dma_wait3A_213 : memref<128xi32, #tpu.memory_space<hbm>>) dst(%dma_wait3A_211 : memref<128xi32, #tpu.memory_space<vmem>>)
    %dma_wait3A_214 = arith.constant 6 : i32
    %dma_wait3A_215 = arith.constant 0 : i32
    %dma_wait3A_216 = tpu.memref_slice %arg5[%dma_wait3A_214, %dma_wait3A_215] : memref<9x128xi32, #tpu.memory_space<vmem>> -> memref<1x128xi32, #tpu.memory_space<vmem>>
    %dma_wait3A_217 = tpu.memref_squeeze %dma_wait3A_216 : memref<1x128xi32, #tpu.memory_space<vmem>> -> memref<128xi32, #tpu.memory_space<vmem>>
    %dma_wait3A_218 = tpu.memref_slice %arg3[%select_n3A, %add3A_111] : memref<4x9216xi32, #tpu.memory_space<hbm>> -> memref<1x128xi32, #tpu.memory_space<hbm>>
    %dma_wait3A_219 = tpu.memref_squeeze %dma_wait3A_218 : memref<1x128xi32, #tpu.memory_space<hbm>> -> memref<128xi32, #tpu.memory_space<hbm>>
    %dma_wait3A_220 = arith.constant 0 : i32
    %dma_wait3A_221 = tpu.memref_slice %arg5[%dma_wait3A_214, %dma_wait3A_220] : memref<9x128xi32, #tpu.memory_space<vmem>> -> memref<1x128xi32, #tpu.memory_space<vmem>>
    %dma_wait3A_222 = tpu.memref_squeeze %dma_wait3A_221 : memref<1x128xi32, #tpu.memory_space<vmem>> -> memref<128xi32, #tpu.memory_space<vmem>>
    %dma_wait3A_223 = tpu.memref_slice %arg3[%select_n3A, %add3A_111] : memref<4x9216xi32, #tpu.memory_space<hbm>> -> memref<1x128xi32, #tpu.memory_space<hbm>>
    %dma_wait3A_224 = tpu.memref_squeeze %dma_wait3A_223 : memref<1x128xi32, #tpu.memory_space<hbm>> -> memref<128xi32, #tpu.memory_space<hbm>>
    tpu.wait_dma2 semaphore(%arg13 : memref<!tpu.dma_semaphore, #tpu.memory_space<semaphore_mem>>) src(%dma_wait3A_224 : memref<128xi32, #tpu.memory_space<hbm>>) dst(%dma_wait3A_222 : memref<128xi32, #tpu.memory_space<vmem>>)
    %dma_wait3A_225 = arith.constant 7 : i32
    %dma_wait3A_226 = arith.constant 0 : i32
    %dma_wait3A_227 = tpu.memref_slice %arg5[%dma_wait3A_225, %dma_wait3A_226] : memref<9x128xi32, #tpu.memory_space<vmem>> -> memref<1x128xi32, #tpu.memory_space<vmem>>
    %dma_wait3A_228 = tpu.memref_squeeze %dma_wait3A_227 : memref<1x128xi32, #tpu.memory_space<vmem>> -> memref<128xi32, #tpu.memory_space<vmem>>
    %dma_wait3A_229 = tpu.memref_slice %arg3[%select_n3A, %add3A_124] : memref<4x9216xi32, #tpu.memory_space<hbm>> -> memref<1x128xi32, #tpu.memory_space<hbm>>
    %dma_wait3A_230 = tpu.memref_squeeze %dma_wait3A_229 : memref<1x128xi32, #tpu.memory_space<hbm>> -> memref<128xi32, #tpu.memory_space<hbm>>
    %dma_wait3A_231 = arith.constant 0 : i32
    %dma_wait3A_232 = tpu.memref_slice %arg5[%dma_wait3A_225, %dma_wait3A_231] : memref<9x128xi32, #tpu.memory_space<vmem>> -> memref<1x128xi32, #tpu.memory_space<vmem>>
    %dma_wait3A_233 = tpu.memref_squeeze %dma_wait3A_232 : memref<1x128xi32, #tpu.memory_space<vmem>> -> memref<128xi32, #tpu.memory_space<vmem>>
    %dma_wait3A_234 = tpu.memref_slice %arg3[%select_n3A, %add3A_124] : memref<4x9216xi32, #tpu.memory_space<hbm>> -> memref<1x128xi32, #tpu.memory_space<hbm>>
    %dma_wait3A_235 = tpu.memref_squeeze %dma_wait3A_234 : memref<1x128xi32, #tpu.memory_space<hbm>> -> memref<128xi32, #tpu.memory_space<hbm>>
    tpu.wait_dma2 semaphore(%arg13 : memref<!tpu.dma_semaphore, #tpu.memory_space<semaphore_mem>>) src(%dma_wait3A_235 : memref<128xi32, #tpu.memory_space<hbm>>) dst(%dma_wait3A_233 : memref<128xi32, #tpu.memory_space<vmem>>)
    %dma_wait3A_236 = arith.constant 8 : i32
    %dma_wait3A_237 = arith.constant 0 : i32
    %dma_wait3A_238 = tpu.memref_slice %arg5[%dma_wait3A_236, %dma_wait3A_237] : memref<9x128xi32, #tpu.memory_space<vmem>> -> memref<1x128xi32, #tpu.memory_space<vmem>>
    %dma_wait3A_239 = tpu.memref_squeeze %dma_wait3A_238 : memref<1x128xi32, #tpu.memory_space<vmem>> -> memref<128xi32, #tpu.memory_space<vmem>>
    %dma_wait3A_240 = tpu.memref_slice %arg3[%select_n3A, %add3A_137] : memref<4x9216xi32, #tpu.memory_space<hbm>> -> memref<1x128xi32, #tpu.memory_space<hbm>>
    %dma_wait3A_241 = tpu.memref_squeeze %dma_wait3A_240 : memref<1x128xi32, #tpu.memory_space<hbm>> -> memref<128xi32, #tpu.memory_space<hbm>>
    %dma_wait3A_242 = arith.constant 0 : i32
    %dma_wait3A_243 = tpu.memref_slice %arg5[%dma_wait3A_236, %dma_wait3A_242] : memref<9x128xi32, #tpu.memory_space<vmem>> -> memref<1x128xi32, #tpu.memory_space<vmem>>
    %dma_wait3A_244 = tpu.memref_squeeze %dma_wait3A_243 : memref<1x128xi32, #tpu.memory_space<vmem>> -> memref<128xi32, #tpu.memory_space<vmem>>
    %dma_wait3A_245 = tpu.memref_slice %arg3[%select_n3A, %add3A_137] : memref<4x9216xi32, #tpu.memory_space<hbm>> -> memref<1x128xi32, #tpu.memory_space<hbm>>
    %dma_wait3A_246 = tpu.memref_squeeze %dma_wait3A_245 : memref<1x128xi32, #tpu.memory_space<hbm>> -> memref<128xi32, #tpu.memory_space<hbm>>
    tpu.wait_dma2 semaphore(%arg13 : memref<!tpu.dma_semaphore, #tpu.memory_space<semaphore_mem>>) src(%dma_wait3A_246 : memref<128xi32, #tpu.memory_space<hbm>>) dst(%dma_wait3A_244 : memref<128xi32, #tpu.memory_space<vmem>>)
    %dma_start3A_247 = arith.constant 0 : i32
    %dma_start3A_248 = arith.constant 0 : i32
    %dma_start3A_249 = arith.constant 0 : i32
    %dma_start3A_250 = arith.constant 0 : i32
    %dma_start3A_251 = tpu.memref_slice %arg6[%dma_start3A_248, %dma_start3A_249, %dma_start3A_250] : memref<3x128x192xf32, #tpu.memory_space<vmem>> -> memref<1x128x192xf32, #tpu.memory_space<vmem>>
    %dma_start3A_252 = tpu.memref_squeeze %dma_start3A_251 : memref<1x128x192xf32, #tpu.memory_space<vmem>> -> memref<128x192xf32, #tpu.memory_space<vmem>>
    %dma_start3A_253 = arith.constant 0 : i32
    %dma_start3A_254 = tpu.memref_slice %arg5[%dma_start3A_247, %dma_start3A_253] : memref<9x128xi32, #tpu.memory_space<vmem>> -> memref<1x128xi32, #tpu.memory_space<vmem>>
    %dma_start3A_255 = tpu.memref_squeeze %dma_start3A_254 : memref<1x128xi32, #tpu.memory_space<vmem>> -> memref<128xi32, #tpu.memory_space<vmem>>
    %dma_start3A_256 = arith.constant 0 : i32
    %dma_start3A_257 = arith.constant 0 : i32
    %dma_start3A_258 = tpu.memref_slice %arg2[%select_n3A, %dma_start3A_256, %dma_start3A_257] : memref<4x1024x192xf32, #tpu.memory_space<hbm>> -> memref<1x1024x192xf32, #tpu.memory_space<hbm>>
    %dma_start3A_259 = tpu.memref_squeeze %dma_start3A_258 : memref<1x1024x192xf32, #tpu.memory_space<hbm>> -> memref<1024x192xf32, #tpu.memory_space<hbm>>
    %dma_start3A_260 = arith.constant 0 : i32
    %dma_start3A_261 = arith.constant 0 : i32
    %dma_start3A_262 = tpu.memref_slice %dma_start3A_259[%dma_start3A_260, %dma_start3A_261] : memref<1024x192xf32, #tpu.memory_space<hbm>> -> memref<1024x192xf32, #tpu.memory_space<hbm>>
    tpu.enqueue_indirect_dma source(%dma_start3A_262 : memref<1024x192xf32, #tpu.memory_space<hbm>>) target(%dma_start3A_252 : memref<128x192xf32, #tpu.memory_space<vmem>>) offsets(%dma_start3A_255 : memref<128xi32, #tpu.memory_space<vmem>>) semaphore(%arg7 : memref<!tpu.dma_semaphore, #tpu.memory_space<semaphore_mem>>)
    %dma_start3A_263 = arith.constant 1 : i32
    %dma_start3A_264 = arith.constant 1 : i32
    %dma_start3A_265 = arith.constant 0 : i32
    %dma_start3A_266 = arith.constant 0 : i32
    %dma_start3A_267 = tpu.memref_slice %arg6[%dma_start3A_264, %dma_start3A_265, %dma_start3A_266] : memref<3x128x192xf32, #tpu.memory_space<vmem>> -> memref<1x128x192xf32, #tpu.memory_space<vmem>>
    %dma_start3A_268 = tpu.memref_squeeze %dma_start3A_267 : memref<1x128x192xf32, #tpu.memory_space<vmem>> -> memref<128x192xf32, #tpu.memory_space<vmem>>
    %dma_start3A_269 = arith.constant 0 : i32
    %dma_start3A_270 = tpu.memref_slice %arg5[%dma_start3A_263, %dma_start3A_269] : memref<9x128xi32, #tpu.memory_space<vmem>> -> memref<1x128xi32, #tpu.memory_space<vmem>>
    %dma_start3A_271 = tpu.memref_squeeze %dma_start3A_270 : memref<1x128xi32, #tpu.memory_space<vmem>> -> memref<128xi32, #tpu.memory_space<vmem>>
    %dma_start3A_272 = arith.constant 0 : i32
    %dma_start3A_273 = arith.constant 0 : i32
    %dma_start3A_274 = tpu.memref_slice %arg2[%select_n3A, %dma_start3A_272, %dma_start3A_273] : memref<4x1024x192xf32, #tpu.memory_space<hbm>> -> memref<1x1024x192xf32, #tpu.memory_space<hbm>>
    %dma_start3A_275 = tpu.memref_squeeze %dma_start3A_274 : memref<1x1024x192xf32, #tpu.memory_space<hbm>> -> memref<1024x192xf32, #tpu.memory_space<hbm>>
    %dma_start3A_276 = arith.constant 0 : i32
    %dma_start3A_277 = arith.constant 0 : i32
    %dma_start3A_278 = tpu.memref_slice %dma_start3A_275[%dma_start3A_276, %dma_start3A_277] : memref<1024x192xf32, #tpu.memory_space<hbm>> -> memref<1024x192xf32, #tpu.memory_space<hbm>>
    tpu.enqueue_indirect_dma source(%dma_start3A_278 : memref<1024x192xf32, #tpu.memory_space<hbm>>) target(%dma_start3A_268 : memref<128x192xf32, #tpu.memory_space<vmem>>) offsets(%dma_start3A_271 : memref<128xi32, #tpu.memory_space<vmem>>) semaphore(%arg8 : memref<!tpu.dma_semaphore, #tpu.memory_space<semaphore_mem>>)
    %dma_start3A_279 = arith.constant 2 : i32
    %dma_start3A_280 = arith.constant 2 : i32
    %dma_start3A_281 = arith.constant 0 : i32
    %dma_start3A_282 = arith.constant 0 : i32
    %dma_start3A_283 = tpu.memref_slice %arg6[%dma_start3A_280, %dma_start3A_281, %dma_start3A_282] : memref<3x128x192xf32, #tpu.memory_space<vmem>> -> memref<1x128x192xf32, #tpu.memory_space<vmem>>
    %dma_start3A_284 = tpu.memref_squeeze %dma_start3A_283 : memref<1x128x192xf32, #tpu.memory_space<vmem>> -> memref<128x192xf32, #tpu.memory_space<vmem>>
    %dma_start3A_285 = arith.constant 0 : i32
    %dma_start3A_286 = tpu.memref_slice %arg5[%dma_start3A_279, %dma_start3A_285] : memref<9x128xi32, #tpu.memory_space<vmem>> -> memref<1x128xi32, #tpu.memory_space<vmem>>
    %dma_start3A_287 = tpu.memref_squeeze %dma_start3A_286 : memref<1x128xi32, #tpu.memory_space<vmem>> -> memref<128xi32, #tpu.memory_space<vmem>>
    %dma_start3A_288 = arith.constant 0 : i32
    %dma_start3A_289 = arith.constant 0 : i32
    %dma_start3A_290 = tpu.memref_slice %arg2[%select_n3A, %dma_start3A_288, %dma_start3A_289] : memref<4x1024x192xf32, #tpu.memory_space<hbm>> -> memref<1x1024x192xf32, #tpu.memory_space<hbm>>
    %dma_start3A_291 = tpu.memref_squeeze %dma_start3A_290 : memref<1x1024x192xf32, #tpu.memory_space<hbm>> -> memref<1024x192xf32, #tpu.memory_space<hbm>>
    %dma_start3A_292 = arith.constant 0 : i32
    %dma_start3A_293 = arith.constant 0 : i32
    %dma_start3A_294 = tpu.memref_slice %dma_start3A_291[%dma_start3A_292, %dma_start3A_293] : memref<1024x192xf32, #tpu.memory_space<hbm>> -> memref<1024x192xf32, #tpu.memory_space<hbm>>
    tpu.enqueue_indirect_dma source(%dma_start3A_294 : memref<1024x192xf32, #tpu.memory_space<hbm>>) target(%dma_start3A_284 : memref<128x192xf32, #tpu.memory_space<vmem>>) offsets(%dma_start3A_287 : memref<128xi32, #tpu.memory_space<vmem>>) semaphore(%arg9 : memref<!tpu.dma_semaphore, #tpu.memory_space<semaphore_mem>>)
    %dma_wait3A_295 = arith.constant 0 : i32
    %dma_wait3A_296 = arith.constant 0 : i32
    %dma_wait3A_297 = arith.constant 0 : i32
    %dma_wait3A_298 = arith.constant 0 : i32
    %dma_wait3A_299 = tpu.memref_slice %arg6[%dma_wait3A_296, %dma_wait3A_297, %dma_wait3A_298] : memref<3x128x192xf32, #tpu.memory_space<vmem>> -> memref<1x128x192xf32, #tpu.memory_space<vmem>>
    %dma_wait3A_300 = tpu.memref_squeeze %dma_wait3A_299 : memref<1x128x192xf32, #tpu.memory_space<vmem>> -> memref<128x192xf32, #tpu.memory_space<vmem>>
    %dma_wait3A_301 = arith.constant 0 : i32
    %dma_wait3A_302 = tpu.memref_slice %arg5[%dma_wait3A_295, %dma_wait3A_301] : memref<9x128xi32, #tpu.memory_space<vmem>> -> memref<1x128xi32, #tpu.memory_space<vmem>>
    %dma_wait3A_303 = tpu.memref_squeeze %dma_wait3A_302 : memref<1x128xi32, #tpu.memory_space<vmem>> -> memref<128xi32, #tpu.memory_space<vmem>>
    %dma_wait3A_304 = arith.constant 0 : i32
    %dma_wait3A_305 = arith.constant 0 : i32
    %dma_wait3A_306 = tpu.memref_slice %arg2[%select_n3A, %dma_wait3A_304, %dma_wait3A_305] : memref<4x1024x192xf32, #tpu.memory_space<hbm>> -> memref<1x1024x192xf32, #tpu.memory_space<hbm>>
    %dma_wait3A_307 = tpu.memref_squeeze %dma_wait3A_306 : memref<1x1024x192xf32, #tpu.memory_space<hbm>> -> memref<1024x192xf32, #tpu.memory_space<hbm>>
    %dma_wait3A_308 = arith.constant 0 : i32
    %dma_wait3A_309 = arith.constant 0 : i32
    %dma_wait3A_310 = tpu.memref_slice %dma_wait3A_307[%dma_wait3A_308, %dma_wait3A_309] : memref<1024x192xf32, #tpu.memory_space<hbm>> -> memref<1024x192xf32, #tpu.memory_space<hbm>>
    tpu.wait_indirect_dma semaphore(%arg7 : memref<!tpu.dma_semaphore, #tpu.memory_space<semaphore_mem>>) src(%dma_wait3A_310 : memref<1024x192xf32, #tpu.memory_space<hbm>>) dst(%dma_wait3A_300 : memref<128x192xf32, #tpu.memory_space<vmem>>)
    %add3A_311 = arith.constant 0 : i32
    %add3A_312 = arith.addi %mul3A_32, %add3A_311 : i32
    %dma_start3A_313 = arith.constant 0 : i32
    %dma_start3A_314 = arith.constant 0 : i32
    %dma_start3A_315 = arith.constant 0 : i32
    %dma_start3A_316 = tpu.memref_slice %arg6[%dma_start3A_313, %dma_start3A_314, %dma_start3A_315] : memref<3x128x192xf32, #tpu.memory_space<vmem>> -> memref<1x128x192xf32, #tpu.memory_space<vmem>>
    %dma_start3A_317 = tpu.memref_squeeze %dma_start3A_316 : memref<1x128x192xf32, #tpu.memory_space<vmem>> -> memref<128x192xf32, #tpu.memory_space<vmem>>
    %dma_start3A_318 = arith.constant 0 : i32
    %dma_start3A_319 = tpu.memref_slice %arg4[%add3A_312, %select_n3A, %dma_start3A_318] : memref<9216x4x192xf32, #tpu.memory_space<hbm>> -> memref<128x1x192xf32, #tpu.memory_space<hbm>>
    %dma_start3A_320 = tpu.memref_squeeze %dma_start3A_319 : memref<128x1x192xf32, #tpu.memory_space<hbm>> -> memref<128x192xf32, #tpu.memory_space<hbm>>
    %dma_start3A_321 = arith.constant 0 : i32
    %dma_start3A_322 = tpu.memref_slice %arg4[%add3A_312, %select_n3A, %dma_start3A_321] : memref<9216x4x192xf32, #tpu.memory_space<hbm>> -> memref<128x1x192xf32, #tpu.memory_space<hbm>>
    %dma_start3A_323 = tpu.memref_squeeze %dma_start3A_322 : memref<128x1x192xf32, #tpu.memory_space<hbm>> -> memref<128x192xf32, #tpu.memory_space<hbm>>
    %dma_start3A_324 = arith.constant 0 : i32
    %dma_start3A_325 = arith.constant 0 : i32
    %dma_start3A_326 = tpu.memref_slice %arg6[%dma_start3A_313, %dma_start3A_324, %dma_start3A_325] : memref<3x128x192xf32, #tpu.memory_space<vmem>> -> memref<1x128x192xf32, #tpu.memory_space<vmem>>
    %dma_start3A_327 = tpu.memref_squeeze %dma_start3A_326 : memref<1x128x192xf32, #tpu.memory_space<vmem>> -> memref<128x192xf32, #tpu.memory_space<vmem>>
    tpu.enqueue_dma source(%dma_start3A_327 : memref<128x192xf32, #tpu.memory_space<vmem>>) target(%dma_start3A_323 : memref<128x192xf32, #tpu.memory_space<hbm>>) target_semaphore(%arg10 : memref<!tpu.dma_semaphore, #tpu.memory_space<semaphore_mem>>)
    %dma_wait3A_328 = arith.constant 0 : i32
    %dma_wait3A_329 = arith.constant 0 : i32
    %dma_wait3A_330 = arith.constant 0 : i32
    %dma_wait3A_331 = tpu.memref_slice %arg6[%dma_wait3A_328, %dma_wait3A_329, %dma_wait3A_330] : memref<3x128x192xf32, #tpu.memory_space<vmem>> -> memref<1x128x192xf32, #tpu.memory_space<vmem>>
    %dma_wait3A_332 = tpu.memref_squeeze %dma_wait3A_331 : memref<1x128x192xf32, #tpu.memory_space<vmem>> -> memref<128x192xf32, #tpu.memory_space<vmem>>
    %dma_wait3A_333 = arith.constant 0 : i32
    %dma_wait3A_334 = tpu.memref_slice %arg4[%add3A_312, %select_n3A, %dma_wait3A_333] : memref<9216x4x192xf32, #tpu.memory_space<hbm>> -> memref<128x1x192xf32, #tpu.memory_space<hbm>>
    %dma_wait3A_335 = tpu.memref_squeeze %dma_wait3A_334 : memref<128x1x192xf32, #tpu.memory_space<hbm>> -> memref<128x192xf32, #tpu.memory_space<hbm>>
    %dma_wait3A_336 = arith.constant 0 : i32
    %dma_wait3A_337 = tpu.memref_slice %arg4[%add3A_312, %select_n3A, %dma_wait3A_336] : memref<9216x4x192xf32, #tpu.memory_space<hbm>> -> memref<128x1x192xf32, #tpu.memory_space<hbm>>
    %dma_wait3A_338 = tpu.memref_squeeze %dma_wait3A_337 : memref<128x1x192xf32, #tpu.memory_space<hbm>> -> memref<128x192xf32, #tpu.memory_space<hbm>>
    %dma_wait3A_339 = arith.constant 0 : i32
    %dma_wait3A_340 = arith.constant 0 : i32
    %dma_wait3A_341 = tpu.memref_slice %arg6[%dma_wait3A_328, %dma_wait3A_339, %dma_wait3A_340] : memref<3x128x192xf32, #tpu.memory_space<vmem>> -> memref<1x128x192xf32, #tpu.memory_space<vmem>>
    %dma_wait3A_342 = tpu.memref_squeeze %dma_wait3A_341 : memref<1x128x192xf32, #tpu.memory_space<vmem>> -> memref<128x192xf32, #tpu.memory_space<vmem>>
    tpu.wait_dma2 semaphore(%arg10 : memref<!tpu.dma_semaphore, #tpu.memory_space<semaphore_mem>>) src(%dma_wait3A_342 : memref<128x192xf32, #tpu.memory_space<vmem>>) dst(%dma_wait3A_338 : memref<128x192xf32, #tpu.memory_space<hbm>>)
    %dma_start3A_343 = arith.constant 3 : i32
    %dma_start3A_344 = arith.constant 0 : i32
    %dma_start3A_345 = arith.constant 0 : i32
    %dma_start3A_346 = arith.constant 0 : i32
    %dma_start3A_347 = tpu.memref_slice %arg6[%dma_start3A_344, %dma_start3A_345, %dma_start3A_346] : memref<3x128x192xf32, #tpu.memory_space<vmem>> -> memref<1x128x192xf32, #tpu.memory_space<vmem>>
    %dma_start3A_348 = tpu.memref_squeeze %dma_start3A_347 : memref<1x128x192xf32, #tpu.memory_space<vmem>> -> memref<128x192xf32, #tpu.memory_space<vmem>>
    %dma_start3A_349 = arith.constant 0 : i32
    %dma_start3A_350 = tpu.memref_slice %arg5[%dma_start3A_343, %dma_start3A_349] : memref<9x128xi32, #tpu.memory_space<vmem>> -> memref<1x128xi32, #tpu.memory_space<vmem>>
    %dma_start3A_351 = tpu.memref_squeeze %dma_start3A_350 : memref<1x128xi32, #tpu.memory_space<vmem>> -> memref<128xi32, #tpu.memory_space<vmem>>
    %dma_start3A_352 = arith.constant 0 : i32
    %dma_start3A_353 = arith.constant 0 : i32
    %dma_start3A_354 = tpu.memref_slice %arg2[%select_n3A, %dma_start3A_352, %dma_start3A_353] : memref<4x1024x192xf32, #tpu.memory_space<hbm>> -> memref<1x1024x192xf32, #tpu.memory_space<hbm>>
    %dma_start3A_355 = tpu.memref_squeeze %dma_start3A_354 : memref<1x1024x192xf32, #tpu.memory_space<hbm>> -> memref<1024x192xf32, #tpu.memory_space<hbm>>
    %dma_start3A_356 = arith.constant 0 : i32
    %dma_start3A_357 = arith.constant 0 : i32
    %dma_start3A_358 = tpu.memref_slice %dma_start3A_355[%dma_start3A_356, %dma_start3A_357] : memref<1024x192xf32, #tpu.memory_space<hbm>> -> memref<1024x192xf32, #tpu.memory_space<hbm>>
    tpu.enqueue_indirect_dma source(%dma_start3A_358 : memref<1024x192xf32, #tpu.memory_space<hbm>>) target(%dma_start3A_348 : memref<128x192xf32, #tpu.memory_space<vmem>>) offsets(%dma_start3A_351 : memref<128xi32, #tpu.memory_space<vmem>>) semaphore(%arg7 : memref<!tpu.dma_semaphore, #tpu.memory_space<semaphore_mem>>)
    %dma_wait3A_359 = arith.constant 1 : i32
    %dma_wait3A_360 = arith.constant 1 : i32
    %dma_wait3A_361 = arith.constant 0 : i32
    %dma_wait3A_362 = arith.constant 0 : i32
    %dma_wait3A_363 = tpu.memref_slice %arg6[%dma_wait3A_360, %dma_wait3A_361, %dma_wait3A_362] : memref<3x128x192xf32, #tpu.memory_space<vmem>> -> memref<1x128x192xf32, #tpu.memory_space<vmem>>
    %dma_wait3A_364 = tpu.memref_squeeze %dma_wait3A_363 : memref<1x128x192xf32, #tpu.memory_space<vmem>> -> memref<128x192xf32, #tpu.memory_space<vmem>>
    %dma_wait3A_365 = arith.constant 0 : i32
    %dma_wait3A_366 = tpu.memref_slice %arg5[%dma_wait3A_359, %dma_wait3A_365] : memref<9x128xi32, #tpu.memory_space<vmem>> -> memref<1x128xi32, #tpu.memory_space<vmem>>
    %dma_wait3A_367 = tpu.memref_squeeze %dma_wait3A_366 : memref<1x128xi32, #tpu.memory_space<vmem>> -> memref<128xi32, #tpu.memory_space<vmem>>
    %dma_wait3A_368 = arith.constant 0 : i32
    %dma_wait3A_369 = arith.constant 0 : i32
    %dma_wait3A_370 = tpu.memref_slice %arg2[%select_n3A, %dma_wait3A_368, %dma_wait3A_369] : memref<4x1024x192xf32, #tpu.memory_space<hbm>> -> memref<1x1024x192xf32, #tpu.memory_space<hbm>>
    %dma_wait3A_371 = tpu.memref_squeeze %dma_wait3A_370 : memref<1x1024x192xf32, #tpu.memory_space<hbm>> -> memref<1024x192xf32, #tpu.memory_space<hbm>>
    %dma_wait3A_372 = arith.constant 0 : i32
    %dma_wait3A_373 = arith.constant 0 : i32
    %dma_wait3A_374 = tpu.memref_slice %dma_wait3A_371[%dma_wait3A_372, %dma_wait3A_373] : memref<1024x192xf32, #tpu.memory_space<hbm>> -> memref<1024x192xf32, #tpu.memory_space<hbm>>
    tpu.wait_indirect_dma semaphore(%arg8 : memref<!tpu.dma_semaphore, #tpu.memory_space<semaphore_mem>>) src(%dma_wait3A_374 : memref<1024x192xf32, #tpu.memory_space<hbm>>) dst(%dma_wait3A_364 : memref<128x192xf32, #tpu.memory_space<vmem>>)
    %add3A_375 = arith.constant 128 : i32
    %add3A_376 = arith.addi %mul3A_32, %add3A_375 : i32
    %dma_start3A_377 = arith.constant 1 : i32
    %dma_start3A_378 = arith.constant 0 : i32
    %dma_start3A_379 = arith.constant 0 : i32
    %dma_start3A_380 = tpu.memref_slice %arg6[%dma_start3A_377, %dma_start3A_378, %dma_start3A_379] : memref<3x128x192xf32, #tpu.memory_space<vmem>> -> memref<1x128x192xf32, #tpu.memory_space<vmem>>
    %dma_start3A_381 = tpu.memref_squeeze %dma_start3A_380 : memref<1x128x192xf32, #tpu.memory_space<vmem>> -> memref<128x192xf32, #tpu.memory_space<vmem>>
    %dma_start3A_382 = arith.constant 0 : i32
    %dma_start3A_383 = tpu.memref_slice %arg4[%add3A_376, %select_n3A, %dma_start3A_382] : memref<9216x4x192xf32, #tpu.memory_space<hbm>> -> memref<128x1x192xf32, #tpu.memory_space<hbm>>
    %dma_start3A_384 = tpu.memref_squeeze %dma_start3A_383 : memref<128x1x192xf32, #tpu.memory_space<hbm>> -> memref<128x192xf32, #tpu.memory_space<hbm>>
    %dma_start3A_385 = arith.constant 0 : i32
    %dma_start3A_386 = tpu.memref_slice %arg4[%add3A_376, %select_n3A, %dma_start3A_385] : memref<9216x4x192xf32, #tpu.memory_space<hbm>> -> memref<128x1x192xf32, #tpu.memory_space<hbm>>
    %dma_start3A_387 = tpu.memref_squeeze %dma_start3A_386 : memref<128x1x192xf32, #tpu.memory_space<hbm>> -> memref<128x192xf32, #tpu.memory_space<hbm>>
    %dma_start3A_388 = arith.constant 0 : i32
    %dma_start3A_389 = arith.constant 0 : i32
    %dma_start3A_390 = tpu.memref_slice %arg6[%dma_start3A_377, %dma_start3A_388, %dma_start3A_389] : memref<3x128x192xf32, #tpu.memory_space<vmem>> -> memref<1x128x192xf32, #tpu.memory_space<vmem>>
    %dma_start3A_391 = tpu.memref_squeeze %dma_start3A_390 : memref<1x128x192xf32, #tpu.memory_space<vmem>> -> memref<128x192xf32, #tpu.memory_space<vmem>>
    tpu.enqueue_dma source(%dma_start3A_391 : memref<128x192xf32, #tpu.memory_space<vmem>>) target(%dma_start3A_387 : memref<128x192xf32, #tpu.memory_space<hbm>>) target_semaphore(%arg11 : memref<!tpu.dma_semaphore, #tpu.memory_space<semaphore_mem>>)
    %dma_wait3A_392 = arith.constant 1 : i32
    %dma_wait3A_393 = arith.constant 0 : i32
    %dma_wait3A_394 = arith.constant 0 : i32
    %dma_wait3A_395 = tpu.memref_slice %arg6[%dma_wait3A_392, %dma_wait3A_393, %dma_wait3A_394] : memref<3x128x192xf32, #tpu.memory_space<vmem>> -> memref<1x128x192xf32, #tpu.memory_space<vmem>>
    %dma_wait3A_396 = tpu.memref_squeeze %dma_wait3A_395 : memref<1x128x192xf32, #tpu.memory_space<vmem>> -> memref<128x192xf32, #tpu.memory_space<vmem>>
    %dma_wait3A_397 = arith.constant 0 : i32
    %dma_wait3A_398 = tpu.memref_slice %arg4[%add3A_376, %select_n3A, %dma_wait3A_397] : memref<9216x4x192xf32, #tpu.memory_space<hbm>> -> memref<128x1x192xf32, #tpu.memory_space<hbm>>
    %dma_wait3A_399 = tpu.memref_squeeze %dma_wait3A_398 : memref<128x1x192xf32, #tpu.memory_space<hbm>> -> memref<128x192xf32, #tpu.memory_space<hbm>>
    %dma_wait3A_400 = arith.constant 0 : i32
    %dma_wait3A_401 = tpu.memref_slice %arg4[%add3A_376, %select_n3A, %dma_wait3A_400] : memref<9216x4x192xf32, #tpu.memory_space<hbm>> -> memref<128x1x192xf32, #tpu.memory_space<hbm>>
    %dma_wait3A_402 = tpu.memref_squeeze %dma_wait3A_401 : memref<128x1x192xf32, #tpu.memory_space<hbm>> -> memref<128x192xf32, #tpu.memory_space<hbm>>
    %dma_wait3A_403 = arith.constant 0 : i32
    %dma_wait3A_404 = arith.constant 0 : i32
    %dma_wait3A_405 = tpu.memref_slice %arg6[%dma_wait3A_392, %dma_wait3A_403, %dma_wait3A_404] : memref<3x128x192xf32, #tpu.memory_space<vmem>> -> memref<1x128x192xf32, #tpu.memory_space<vmem>>
    %dma_wait3A_406 = tpu.memref_squeeze %dma_wait3A_405 : memref<1x128x192xf32, #tpu.memory_space<vmem>> -> memref<128x192xf32, #tpu.memory_space<vmem>>
    tpu.wait_dma2 semaphore(%arg11 : memref<!tpu.dma_semaphore, #tpu.memory_space<semaphore_mem>>) src(%dma_wait3A_406 : memref<128x192xf32, #tpu.memory_space<vmem>>) dst(%dma_wait3A_402 : memref<128x192xf32, #tpu.memory_space<hbm>>)
    %dma_start3A_407 = arith.constant 4 : i32
    %dma_start3A_408 = arith.constant 1 : i32
    %dma_start3A_409 = arith.constant 0 : i32
    %dma_start3A_410 = arith.constant 0 : i32
    %dma_start3A_411 = tpu.memref_slice %arg6[%dma_start3A_408, %dma_start3A_409, %dma_start3A_410] : memref<3x128x192xf32, #tpu.memory_space<vmem>> -> memref<1x128x192xf32, #tpu.memory_space<vmem>>
    %dma_start3A_412 = tpu.memref_squeeze %dma_start3A_411 : memref<1x128x192xf32, #tpu.memory_space<vmem>> -> memref<128x192xf32, #tpu.memory_space<vmem>>
    %dma_start3A_413 = arith.constant 0 : i32
    %dma_start3A_414 = tpu.memref_slice %arg5[%dma_start3A_407, %dma_start3A_413] : memref<9x128xi32, #tpu.memory_space<vmem>> -> memref<1x128xi32, #tpu.memory_space<vmem>>
    %dma_start3A_415 = tpu.memref_squeeze %dma_start3A_414 : memref<1x128xi32, #tpu.memory_space<vmem>> -> memref<128xi32, #tpu.memory_space<vmem>>
    %dma_start3A_416 = arith.constant 0 : i32
    %dma_start3A_417 = arith.constant 0 : i32
    %dma_start3A_418 = tpu.memref_slice %arg2[%select_n3A, %dma_start3A_416, %dma_start3A_417] : memref<4x1024x192xf32, #tpu.memory_space<hbm>> -> memref<1x1024x192xf32, #tpu.memory_space<hbm>>
    %dma_start3A_419 = tpu.memref_squeeze %dma_start3A_418 : memref<1x1024x192xf32, #tpu.memory_space<hbm>> -> memref<1024x192xf32, #tpu.memory_space<hbm>>
    %dma_start3A_420 = arith.constant 0 : i32
    %dma_start3A_421 = arith.constant 0 : i32
    %dma_start3A_422 = tpu.memref_slice %dma_start3A_419[%dma_start3A_420, %dma_start3A_421] : memref<1024x192xf32, #tpu.memory_space<hbm>> -> memref<1024x192xf32, #tpu.memory_space<hbm>>
    tpu.enqueue_indirect_dma source(%dma_start3A_422 : memref<1024x192xf32, #tpu.memory_space<hbm>>) target(%dma_start3A_412 : memref<128x192xf32, #tpu.memory_space<vmem>>) offsets(%dma_start3A_415 : memref<128xi32, #tpu.memory_space<vmem>>) semaphore(%arg8 : memref<!tpu.dma_semaphore, #tpu.memory_space<semaphore_mem>>)
    %dma_wait3A_423 = arith.constant 2 : i32
    %dma_wait3A_424 = arith.constant 2 : i32
    %dma_wait3A_425 = arith.constant 0 : i32
    %dma_wait3A_426 = arith.constant 0 : i32
    %dma_wait3A_427 = tpu.memref_slice %arg6[%dma_wait3A_424, %dma_wait3A_425, %dma_wait3A_426] : memref<3x128x192xf32, #tpu.memory_space<vmem>> -> memref<1x128x192xf32, #tpu.memory_space<vmem>>
    %dma_wait3A_428 = tpu.memref_squeeze %dma_wait3A_427 : memref<1x128x192xf32, #tpu.memory_space<vmem>> -> memref<128x192xf32, #tpu.memory_space<vmem>>
    %dma_wait3A_429 = arith.constant 0 : i32
    %dma_wait3A_430 = tpu.memref_slice %arg5[%dma_wait3A_423, %dma_wait3A_429] : memref<9x128xi32, #tpu.memory_space<vmem>> -> memref<1x128xi32, #tpu.memory_space<vmem>>
    %dma_wait3A_431 = tpu.memref_squeeze %dma_wait3A_430 : memref<1x128xi32, #tpu.memory_space<vmem>> -> memref<128xi32, #tpu.memory_space<vmem>>
    %dma_wait3A_432 = arith.constant 0 : i32
    %dma_wait3A_433 = arith.constant 0 : i32
    %dma_wait3A_434 = tpu.memref_slice %arg2[%select_n3A, %dma_wait3A_432, %dma_wait3A_433] : memref<4x1024x192xf32, #tpu.memory_space<hbm>> -> memref<1x1024x192xf32, #tpu.memory_space<hbm>>
    %dma_wait3A_435 = tpu.memref_squeeze %dma_wait3A_434 : memref<1x1024x192xf32, #tpu.memory_space<hbm>> -> memref<1024x192xf32, #tpu.memory_space<hbm>>
    %dma_wait3A_436 = arith.constant 0 : i32
    %dma_wait3A_437 = arith.constant 0 : i32
    %dma_wait3A_438 = tpu.memref_slice %dma_wait3A_435[%dma_wait3A_436, %dma_wait3A_437] : memref<1024x192xf32, #tpu.memory_space<hbm>> -> memref<1024x192xf32, #tpu.memory_space<hbm>>
    tpu.wait_indirect_dma semaphore(%arg9 : memref<!tpu.dma_semaphore, #tpu.memory_space<semaphore_mem>>) src(%dma_wait3A_438 : memref<1024x192xf32, #tpu.memory_space<hbm>>) dst(%dma_wait3A_428 : memref<128x192xf32, #tpu.memory_space<vmem>>)
    %add3A_439 = arith.constant 256 : i32
    %add3A_440 = arith.addi %mul3A_32, %add3A_439 : i32
    %dma_start3A_441 = arith.constant 2 : i32
    %dma_start3A_442 = arith.constant 0 : i32
    %dma_start3A_443 = arith.constant 0 : i32
    %dma_start3A_444 = tpu.memref_slice %arg6[%dma_start3A_441, %dma_start3A_442, %dma_start3A_443] : memref<3x128x192xf32, #tpu.memory_space<vmem>> -> memref<1x128x192xf32, #tpu.memory_space<vmem>>
    %dma_start3A_445 = tpu.memref_squeeze %dma_start3A_444 : memref<1x128x192xf32, #tpu.memory_space<vmem>> -> memref<128x192xf32, #tpu.memory_space<vmem>>
    %dma_start3A_446 = arith.constant 0 : i32
    %dma_start3A_447 = tpu.memref_slice %arg4[%add3A_440, %select_n3A, %dma_start3A_446] : memref<9216x4x192xf32, #tpu.memory_space<hbm>> -> memref<128x1x192xf32, #tpu.memory_space<hbm>>
    %dma_start3A_448 = tpu.memref_squeeze %dma_start3A_447 : memref<128x1x192xf32, #tpu.memory_space<hbm>> -> memref<128x192xf32, #tpu.memory_space<hbm>>
    %dma_start3A_449 = arith.constant 0 : i32
    %dma_start3A_450 = tpu.memref_slice %arg4[%add3A_440, %select_n3A, %dma_start3A_449] : memref<9216x4x192xf32, #tpu.memory_space<hbm>> -> memref<128x1x192xf32, #tpu.memory_space<hbm>>
    %dma_start3A_451 = tpu.memref_squeeze %dma_start3A_450 : memref<128x1x192xf32, #tpu.memory_space<hbm>> -> memref<128x192xf32, #tpu.memory_space<hbm>>
    %dma_start3A_452 = arith.constant 0 : i32
    %dma_start3A_453 = arith.constant 0 : i32
    %dma_start3A_454 = tpu.memref_slice %arg6[%dma_start3A_441, %dma_start3A_452, %dma_start3A_453] : memref<3x128x192xf32, #tpu.memory_space<vmem>> -> memref<1x128x192xf32, #tpu.memory_space<vmem>>
    %dma_start3A_455 = tpu.memref_squeeze %dma_start3A_454 : memref<1x128x192xf32, #tpu.memory_space<vmem>> -> memref<128x192xf32, #tpu.memory_space<vmem>>
    tpu.enqueue_dma source(%dma_start3A_455 : memref<128x192xf32, #tpu.memory_space<vmem>>) target(%dma_start3A_451 : memref<128x192xf32, #tpu.memory_space<hbm>>) target_semaphore(%arg12 : memref<!tpu.dma_semaphore, #tpu.memory_space<semaphore_mem>>)
    %dma_wait3A_456 = arith.constant 2 : i32
    %dma_wait3A_457 = arith.constant 0 : i32
    %dma_wait3A_458 = arith.constant 0 : i32
    %dma_wait3A_459 = tpu.memref_slice %arg6[%dma_wait3A_456, %dma_wait3A_457, %dma_wait3A_458] : memref<3x128x192xf32, #tpu.memory_space<vmem>> -> memref<1x128x192xf32, #tpu.memory_space<vmem>>
    %dma_wait3A_460 = tpu.memref_squeeze %dma_wait3A_459 : memref<1x128x192xf32, #tpu.memory_space<vmem>> -> memref<128x192xf32, #tpu.memory_space<vmem>>
    %dma_wait3A_461 = arith.constant 0 : i32
    %dma_wait3A_462 = tpu.memref_slice %arg4[%add3A_440, %select_n3A, %dma_wait3A_461] : memref<9216x4x192xf32, #tpu.memory_space<hbm>> -> memref<128x1x192xf32, #tpu.memory_space<hbm>>
    %dma_wait3A_463 = tpu.memref_squeeze %dma_wait3A_462 : memref<128x1x192xf32, #tpu.memory_space<hbm>> -> memref<128x192xf32, #tpu.memory_space<hbm>>
    %dma_wait3A_464 = arith.constant 0 : i32
    %dma_wait3A_465 = tpu.memref_slice %arg4[%add3A_440, %select_n3A, %dma_wait3A_464] : memref<9216x4x192xf32, #tpu.memory_space<hbm>> -> memref<128x1x192xf32, #tpu.memory_space<hbm>>
    %dma_wait3A_466 = tpu.memref_squeeze %dma_wait3A_465 : memref<128x1x192xf32, #tpu.memory_space<hbm>> -> memref<128x192xf32, #tpu.memory_space<hbm>>
    %dma_wait3A_467 = arith.constant 0 : i32
    %dma_wait3A_468 = arith.constant 0 : i32
    %dma_wait3A_469 = tpu.memref_slice %arg6[%dma_wait3A_456, %dma_wait3A_467, %dma_wait3A_468] : memref<3x128x192xf32, #tpu.memory_space<vmem>> -> memref<1x128x192xf32, #tpu.memory_space<vmem>>
    %dma_wait3A_470 = tpu.memref_squeeze %dma_wait3A_469 : memref<1x128x192xf32, #tpu.memory_space<vmem>> -> memref<128x192xf32, #tpu.memory_space<vmem>>
    tpu.wait_dma2 semaphore(%arg12 : memref<!tpu.dma_semaphore, #tpu.memory_space<semaphore_mem>>) src(%dma_wait3A_470 : memref<128x192xf32, #tpu.memory_space<vmem>>) dst(%dma_wait3A_466 : memref<128x192xf32, #tpu.memory_space<hbm>>)
    %dma_start3A_471 = arith.constant 5 : i32
    %dma_start3A_472 = arith.constant 2 : i32
    %dma_start3A_473 = arith.constant 0 : i32
    %dma_start3A_474 = arith.constant 0 : i32
    %dma_start3A_475 = tpu.memref_slice %arg6[%dma_start3A_472, %dma_start3A_473, %dma_start3A_474] : memref<3x128x192xf32, #tpu.memory_space<vmem>> -> memref<1x128x192xf32, #tpu.memory_space<vmem>>
    %dma_start3A_476 = tpu.memref_squeeze %dma_start3A_475 : memref<1x128x192xf32, #tpu.memory_space<vmem>> -> memref<128x192xf32, #tpu.memory_space<vmem>>
    %dma_start3A_477 = arith.constant 0 : i32
    %dma_start3A_478 = tpu.memref_slice %arg5[%dma_start3A_471, %dma_start3A_477] : memref<9x128xi32, #tpu.memory_space<vmem>> -> memref<1x128xi32, #tpu.memory_space<vmem>>
    %dma_start3A_479 = tpu.memref_squeeze %dma_start3A_478 : memref<1x128xi32, #tpu.memory_space<vmem>> -> memref<128xi32, #tpu.memory_space<vmem>>
    %dma_start3A_480 = arith.constant 0 : i32
    %dma_start3A_481 = arith.constant 0 : i32
    %dma_start3A_482 = tpu.memref_slice %arg2[%select_n3A, %dma_start3A_480, %dma_start3A_481] : memref<4x1024x192xf32, #tpu.memory_space<hbm>> -> memref<1x1024x192xf32, #tpu.memory_space<hbm>>
    %dma_start3A_483 = tpu.memref_squeeze %dma_start3A_482 : memref<1x1024x192xf32, #tpu.memory_space<hbm>> -> memref<1024x192xf32, #tpu.memory_space<hbm>>
    %dma_start3A_484 = arith.constant 0 : i32
    %dma_start3A_485 = arith.constant 0 : i32
    %dma_start3A_486 = tpu.memref_slice %dma_start3A_483[%dma_start3A_484, %dma_start3A_485] : memref<1024x192xf32, #tpu.memory_space<hbm>> -> memref<1024x192xf32, #tpu.memory_space<hbm>>
    tpu.enqueue_indirect_dma source(%dma_start3A_486 : memref<1024x192xf32, #tpu.memory_space<hbm>>) target(%dma_start3A_476 : memref<128x192xf32, #tpu.memory_space<vmem>>) offsets(%dma_start3A_479 : memref<128xi32, #tpu.memory_space<vmem>>) semaphore(%arg9 : memref<!tpu.dma_semaphore, #tpu.memory_space<semaphore_mem>>)
    %dma_wait3A_487 = arith.constant 3 : i32
    %dma_wait3A_488 = arith.constant 0 : i32
    %dma_wait3A_489 = arith.constant 0 : i32
    %dma_wait3A_490 = arith.constant 0 : i32
    %dma_wait3A_491 = tpu.memref_slice %arg6[%dma_wait3A_488, %dma_wait3A_489, %dma_wait3A_490] : memref<3x128x192xf32, #tpu.memory_space<vmem>> -> memref<1x128x192xf32, #tpu.memory_space<vmem>>
    %dma_wait3A_492 = tpu.memref_squeeze %dma_wait3A_491 : memref<1x128x192xf32, #tpu.memory_space<vmem>> -> memref<128x192xf32, #tpu.memory_space<vmem>>
    %dma_wait3A_493 = arith.constant 0 : i32
    %dma_wait3A_494 = tpu.memref_slice %arg5[%dma_wait3A_487, %dma_wait3A_493] : memref<9x128xi32, #tpu.memory_space<vmem>> -> memref<1x128xi32, #tpu.memory_space<vmem>>
    %dma_wait3A_495 = tpu.memref_squeeze %dma_wait3A_494 : memref<1x128xi32, #tpu.memory_space<vmem>> -> memref<128xi32, #tpu.memory_space<vmem>>
    %dma_wait3A_496 = arith.constant 0 : i32
    %dma_wait3A_497 = arith.constant 0 : i32
    %dma_wait3A_498 = tpu.memref_slice %arg2[%select_n3A, %dma_wait3A_496, %dma_wait3A_497] : memref<4x1024x192xf32, #tpu.memory_space<hbm>> -> memref<1x1024x192xf32, #tpu.memory_space<hbm>>
    %dma_wait3A_499 = tpu.memref_squeeze %dma_wait3A_498 : memref<1x1024x192xf32, #tpu.memory_space<hbm>> -> memref<1024x192xf32, #tpu.memory_space<hbm>>
    %dma_wait3A_500 = arith.constant 0 : i32
    %dma_wait3A_501 = arith.constant 0 : i32
    %dma_wait3A_502 = tpu.memref_slice %dma_wait3A_499[%dma_wait3A_500, %dma_wait3A_501] : memref<1024x192xf32, #tpu.memory_space<hbm>> -> memref<1024x192xf32, #tpu.memory_space<hbm>>
    tpu.wait_indirect_dma semaphore(%arg7 : memref<!tpu.dma_semaphore, #tpu.memory_space<semaphore_mem>>) src(%dma_wait3A_502 : memref<1024x192xf32, #tpu.memory_space<hbm>>) dst(%dma_wait3A_492 : memref<128x192xf32, #tpu.memory_space<vmem>>)
    %add3A_503 = arith.constant 384 : i32
    %add3A_504 = arith.addi %mul3A_32, %add3A_503 : i32
    %dma_start3A_505 = arith.constant 0 : i32
    %dma_start3A_506 = arith.constant 0 : i32
    %dma_start3A_507 = arith.constant 0 : i32
    %dma_start3A_508 = tpu.memref_slice %arg6[%dma_start3A_505, %dma_start3A_506, %dma_start3A_507] : memref<3x128x192xf32, #tpu.memory_space<vmem>> -> memref<1x128x192xf32, #tpu.memory_space<vmem>>
    %dma_start3A_509 = tpu.memref_squeeze %dma_start3A_508 : memref<1x128x192xf32, #tpu.memory_space<vmem>> -> memref<128x192xf32, #tpu.memory_space<vmem>>
    %dma_start3A_510 = arith.constant 0 : i32
    %dma_start3A_511 = tpu.memref_slice %arg4[%add3A_504, %select_n3A, %dma_start3A_510] : memref<9216x4x192xf32, #tpu.memory_space<hbm>> -> memref<128x1x192xf32, #tpu.memory_space<hbm>>
    %dma_start3A_512 = tpu.memref_squeeze %dma_start3A_511 : memref<128x1x192xf32, #tpu.memory_space<hbm>> -> memref<128x192xf32, #tpu.memory_space<hbm>>
    %dma_start3A_513 = arith.constant 0 : i32
    %dma_start3A_514 = tpu.memref_slice %arg4[%add3A_504, %select_n3A, %dma_start3A_513] : memref<9216x4x192xf32, #tpu.memory_space<hbm>> -> memref<128x1x192xf32, #tpu.memory_space<hbm>>
    %dma_start3A_515 = tpu.memref_squeeze %dma_start3A_514 : memref<128x1x192xf32, #tpu.memory_space<hbm>> -> memref<128x192xf32, #tpu.memory_space<hbm>>
    %dma_start3A_516 = arith.constant 0 : i32
    %dma_start3A_517 = arith.constant 0 : i32
    %dma_start3A_518 = tpu.memref_slice %arg6[%dma_start3A_505, %dma_start3A_516, %dma_start3A_517] : memref<3x128x192xf32, #tpu.memory_space<vmem>> -> memref<1x128x192xf32, #tpu.memory_space<vmem>>
    %dma_start3A_519 = tpu.memref_squeeze %dma_start3A_518 : memref<1x128x192xf32, #tpu.memory_space<vmem>> -> memref<128x192xf32, #tpu.memory_space<vmem>>
    tpu.enqueue_dma source(%dma_start3A_519 : memref<128x192xf32, #tpu.memory_space<vmem>>) target(%dma_start3A_515 : memref<128x192xf32, #tpu.memory_space<hbm>>) target_semaphore(%arg10 : memref<!tpu.dma_semaphore, #tpu.memory_space<semaphore_mem>>)
    %dma_wait3A_520 = arith.constant 0 : i32
    %dma_wait3A_521 = arith.constant 0 : i32
    %dma_wait3A_522 = arith.constant 0 : i32
    %dma_wait3A_523 = tpu.memref_slice %arg6[%dma_wait3A_520, %dma_wait3A_521, %dma_wait3A_522] : memref<3x128x192xf32, #tpu.memory_space<vmem>> -> memref<1x128x192xf32, #tpu.memory_space<vmem>>
    %dma_wait3A_524 = tpu.memref_squeeze %dma_wait3A_523 : memref<1x128x192xf32, #tpu.memory_space<vmem>> -> memref<128x192xf32, #tpu.memory_space<vmem>>
    %dma_wait3A_525 = arith.constant 0 : i32
    %dma_wait3A_526 = tpu.memref_slice %arg4[%add3A_504, %select_n3A, %dma_wait3A_525] : memref<9216x4x192xf32, #tpu.memory_space<hbm>> -> memref<128x1x192xf32, #tpu.memory_space<hbm>>
    %dma_wait3A_527 = tpu.memref_squeeze %dma_wait3A_526 : memref<128x1x192xf32, #tpu.memory_space<hbm>> -> memref<128x192xf32, #tpu.memory_space<hbm>>
    %dma_wait3A_528 = arith.constant 0 : i32
    %dma_wait3A_529 = tpu.memref_slice %arg4[%add3A_504, %select_n3A, %dma_wait3A_528] : memref<9216x4x192xf32, #tpu.memory_space<hbm>> -> memref<128x1x192xf32, #tpu.memory_space<hbm>>
    %dma_wait3A_530 = tpu.memref_squeeze %dma_wait3A_529 : memref<128x1x192xf32, #tpu.memory_space<hbm>> -> memref<128x192xf32, #tpu.memory_space<hbm>>
    %dma_wait3A_531 = arith.constant 0 : i32
    %dma_wait3A_532 = arith.constant 0 : i32
    %dma_wait3A_533 = tpu.memref_slice %arg6[%dma_wait3A_520, %dma_wait3A_531, %dma_wait3A_532] : memref<3x128x192xf32, #tpu.memory_space<vmem>> -> memref<1x128x192xf32, #tpu.memory_space<vmem>>
    %dma_wait3A_534 = tpu.memref_squeeze %dma_wait3A_533 : memref<1x128x192xf32, #tpu.memory_space<vmem>> -> memref<128x192xf32, #tpu.memory_space<vmem>>
    tpu.wait_dma2 semaphore(%arg10 : memref<!tpu.dma_semaphore, #tpu.memory_space<semaphore_mem>>) src(%dma_wait3A_534 : memref<128x192xf32, #tpu.memory_space<vmem>>) dst(%dma_wait3A_530 : memref<128x192xf32, #tpu.memory_space<hbm>>)
    %dma_start3A_535 = arith.constant 6 : i32
    %dma_start3A_536 = arith.constant 0 : i32
    %dma_start3A_537 = arith.constant 0 : i32
    %dma_start3A_538 = arith.constant 0 : i32
    %dma_start3A_539 = tpu.memref_slice %arg6[%dma_start3A_536, %dma_start3A_537, %dma_start3A_538] : memref<3x128x192xf32, #tpu.memory_space<vmem>> -> memref<1x128x192xf32, #tpu.memory_space<vmem>>
    %dma_start3A_540 = tpu.memref_squeeze %dma_start3A_539 : memref<1x128x192xf32, #tpu.memory_space<vmem>> -> memref<128x192xf32, #tpu.memory_space<vmem>>
    %dma_start3A_541 = arith.constant 0 : i32
    %dma_start3A_542 = tpu.memref_slice %arg5[%dma_start3A_535, %dma_start3A_541] : memref<9x128xi32, #tpu.memory_space<vmem>> -> memref<1x128xi32, #tpu.memory_space<vmem>>
    %dma_start3A_543 = tpu.memref_squeeze %dma_start3A_542 : memref<1x128xi32, #tpu.memory_space<vmem>> -> memref<128xi32, #tpu.memory_space<vmem>>
    %dma_start3A_544 = arith.constant 0 : i32
    %dma_start3A_545 = arith.constant 0 : i32
    %dma_start3A_546 = tpu.memref_slice %arg2[%select_n3A, %dma_start3A_544, %dma_start3A_545] : memref<4x1024x192xf32, #tpu.memory_space<hbm>> -> memref<1x1024x192xf32, #tpu.memory_space<hbm>>
    %dma_start3A_547 = tpu.memref_squeeze %dma_start3A_546 : memref<1x1024x192xf32, #tpu.memory_space<hbm>> -> memref<1024x192xf32, #tpu.memory_space<hbm>>
    %dma_start3A_548 = arith.constant 0 : i32
    %dma_start3A_549 = arith.constant 0 : i32
    %dma_start3A_550 = tpu.memref_slice %dma_start3A_547[%dma_start3A_548, %dma_start3A_549] : memref<1024x192xf32, #tpu.memory_space<hbm>> -> memref<1024x192xf32, #tpu.memory_space<hbm>>
    tpu.enqueue_indirect_dma source(%dma_start3A_550 : memref<1024x192xf32, #tpu.memory_space<hbm>>) target(%dma_start3A_540 : memref<128x192xf32, #tpu.memory_space<vmem>>) offsets(%dma_start3A_543 : memref<128xi32, #tpu.memory_space<vmem>>) semaphore(%arg7 : memref<!tpu.dma_semaphore, #tpu.memory_space<semaphore_mem>>)
    %dma_wait3A_551 = arith.constant 4 : i32
    %dma_wait3A_552 = arith.constant 1 : i32
    %dma_wait3A_553 = arith.constant 0 : i32
    %dma_wait3A_554 = arith.constant 0 : i32
    %dma_wait3A_555 = tpu.memref_slice %arg6[%dma_wait3A_552, %dma_wait3A_553, %dma_wait3A_554] : memref<3x128x192xf32, #tpu.memory_space<vmem>> -> memref<1x128x192xf32, #tpu.memory_space<vmem>>
    %dma_wait3A_556 = tpu.memref_squeeze %dma_wait3A_555 : memref<1x128x192xf32, #tpu.memory_space<vmem>> -> memref<128x192xf32, #tpu.memory_space<vmem>>
    %dma_wait3A_557 = arith.constant 0 : i32
    %dma_wait3A_558 = tpu.memref_slice %arg5[%dma_wait3A_551, %dma_wait3A_557] : memref<9x128xi32, #tpu.memory_space<vmem>> -> memref<1x128xi32, #tpu.memory_space<vmem>>
    %dma_wait3A_559 = tpu.memref_squeeze %dma_wait3A_558 : memref<1x128xi32, #tpu.memory_space<vmem>> -> memref<128xi32, #tpu.memory_space<vmem>>
    %dma_wait3A_560 = arith.constant 0 : i32
    %dma_wait3A_561 = arith.constant 0 : i32
    %dma_wait3A_562 = tpu.memref_slice %arg2[%select_n3A, %dma_wait3A_560, %dma_wait3A_561] : memref<4x1024x192xf32, #tpu.memory_space<hbm>> -> memref<1x1024x192xf32, #tpu.memory_space<hbm>>
    %dma_wait3A_563 = tpu.memref_squeeze %dma_wait3A_562 : memref<1x1024x192xf32, #tpu.memory_space<hbm>> -> memref<1024x192xf32, #tpu.memory_space<hbm>>
    %dma_wait3A_564 = arith.constant 0 : i32
    %dma_wait3A_565 = arith.constant 0 : i32
    %dma_wait3A_566 = tpu.memref_slice %dma_wait3A_563[%dma_wait3A_564, %dma_wait3A_565] : memref<1024x192xf32, #tpu.memory_space<hbm>> -> memref<1024x192xf32, #tpu.memory_space<hbm>>
    tpu.wait_indirect_dma semaphore(%arg8 : memref<!tpu.dma_semaphore, #tpu.memory_space<semaphore_mem>>) src(%dma_wait3A_566 : memref<1024x192xf32, #tpu.memory_space<hbm>>) dst(%dma_wait3A_556 : memref<128x192xf32, #tpu.memory_space<vmem>>)
    %add3A_567 = arith.constant 512 : i32
    %add3A_568 = arith.addi %mul3A_32, %add3A_567 : i32
    %dma_start3A_569 = arith.constant 1 : i32
    %dma_start3A_570 = arith.constant 0 : i32
    %dma_start3A_571 = arith.constant 0 : i32
    %dma_start3A_572 = tpu.memref_slice %arg6[%dma_start3A_569, %dma_start3A_570, %dma_start3A_571] : memref<3x128x192xf32, #tpu.memory_space<vmem>> -> memref<1x128x192xf32, #tpu.memory_space<vmem>>
    %dma_start3A_573 = tpu.memref_squeeze %dma_start3A_572 : memref<1x128x192xf32, #tpu.memory_space<vmem>> -> memref<128x192xf32, #tpu.memory_space<vmem>>
    %dma_start3A_574 = arith.constant 0 : i32
    %dma_start3A_575 = tpu.memref_slice %arg4[%add3A_568, %select_n3A, %dma_start3A_574] : memref<9216x4x192xf32, #tpu.memory_space<hbm>> -> memref<128x1x192xf32, #tpu.memory_space<hbm>>
    %dma_start3A_576 = tpu.memref_squeeze %dma_start3A_575 : memref<128x1x192xf32, #tpu.memory_space<hbm>> -> memref<128x192xf32, #tpu.memory_space<hbm>>
    %dma_start3A_577 = arith.constant 0 : i32
    %dma_start3A_578 = tpu.memref_slice %arg4[%add3A_568, %select_n3A, %dma_start3A_577] : memref<9216x4x192xf32, #tpu.memory_space<hbm>> -> memref<128x1x192xf32, #tpu.memory_space<hbm>>
    %dma_start3A_579 = tpu.memref_squeeze %dma_start3A_578 : memref<128x1x192xf32, #tpu.memory_space<hbm>> -> memref<128x192xf32, #tpu.memory_space<hbm>>
    %dma_start3A_580 = arith.constant 0 : i32
    %dma_start3A_581 = arith.constant 0 : i32
    %dma_start3A_582 = tpu.memref_slice %arg6[%dma_start3A_569, %dma_start3A_580, %dma_start3A_581] : memref<3x128x192xf32, #tpu.memory_space<vmem>> -> memref<1x128x192xf32, #tpu.memory_space<vmem>>
    %dma_start3A_583 = tpu.memref_squeeze %dma_start3A_582 : memref<1x128x192xf32, #tpu.memory_space<vmem>> -> memref<128x192xf32, #tpu.memory_space<vmem>>
    tpu.enqueue_dma source(%dma_start3A_583 : memref<128x192xf32, #tpu.memory_space<vmem>>) target(%dma_start3A_579 : memref<128x192xf32, #tpu.memory_space<hbm>>) target_semaphore(%arg11 : memref<!tpu.dma_semaphore, #tpu.memory_space<semaphore_mem>>)
    %dma_wait3A_584 = arith.constant 1 : i32
    %dma_wait3A_585 = arith.constant 0 : i32
    %dma_wait3A_586 = arith.constant 0 : i32
    %dma_wait3A_587 = tpu.memref_slice %arg6[%dma_wait3A_584, %dma_wait3A_585, %dma_wait3A_586] : memref<3x128x192xf32, #tpu.memory_space<vmem>> -> memref<1x128x192xf32, #tpu.memory_space<vmem>>
    %dma_wait3A_588 = tpu.memref_squeeze %dma_wait3A_587 : memref<1x128x192xf32, #tpu.memory_space<vmem>> -> memref<128x192xf32, #tpu.memory_space<vmem>>
    %dma_wait3A_589 = arith.constant 0 : i32
    %dma_wait3A_590 = tpu.memref_slice %arg4[%add3A_568, %select_n3A, %dma_wait3A_589] : memref<9216x4x192xf32, #tpu.memory_space<hbm>> -> memref<128x1x192xf32, #tpu.memory_space<hbm>>
    %dma_wait3A_591 = tpu.memref_squeeze %dma_wait3A_590 : memref<128x1x192xf32, #tpu.memory_space<hbm>> -> memref<128x192xf32, #tpu.memory_space<hbm>>
    %dma_wait3A_592 = arith.constant 0 : i32
    %dma_wait3A_593 = tpu.memref_slice %arg4[%add3A_568, %select_n3A, %dma_wait3A_592] : memref<9216x4x192xf32, #tpu.memory_space<hbm>> -> memref<128x1x192xf32, #tpu.memory_space<hbm>>
    %dma_wait3A_594 = tpu.memref_squeeze %dma_wait3A_593 : memref<128x1x192xf32, #tpu.memory_space<hbm>> -> memref<128x192xf32, #tpu.memory_space<hbm>>
    %dma_wait3A_595 = arith.constant 0 : i32
    %dma_wait3A_596 = arith.constant 0 : i32
    %dma_wait3A_597 = tpu.memref_slice %arg6[%dma_wait3A_584, %dma_wait3A_595, %dma_wait3A_596] : memref<3x128x192xf32, #tpu.memory_space<vmem>> -> memref<1x128x192xf32, #tpu.memory_space<vmem>>
    %dma_wait3A_598 = tpu.memref_squeeze %dma_wait3A_597 : memref<1x128x192xf32, #tpu.memory_space<vmem>> -> memref<128x192xf32, #tpu.memory_space<vmem>>
    tpu.wait_dma2 semaphore(%arg11 : memref<!tpu.dma_semaphore, #tpu.memory_space<semaphore_mem>>) src(%dma_wait3A_598 : memref<128x192xf32, #tpu.memory_space<vmem>>) dst(%dma_wait3A_594 : memref<128x192xf32, #tpu.memory_space<hbm>>)
    %dma_start3A_599 = arith.constant 7 : i32
    %dma_start3A_600 = arith.constant 1 : i32
    %dma_start3A_601 = arith.constant 0 : i32
    %dma_start3A_602 = arith.constant 0 : i32
    %dma_start3A_603 = tpu.memref_slice %arg6[%dma_start3A_600, %dma_start3A_601, %dma_start3A_602] : memref<3x128x192xf32, #tpu.memory_space<vmem>> -> memref<1x128x192xf32, #tpu.memory_space<vmem>>
    %dma_start3A_604 = tpu.memref_squeeze %dma_start3A_603 : memref<1x128x192xf32, #tpu.memory_space<vmem>> -> memref<128x192xf32, #tpu.memory_space<vmem>>
    %dma_start3A_605 = arith.constant 0 : i32
    %dma_start3A_606 = tpu.memref_slice %arg5[%dma_start3A_599, %dma_start3A_605] : memref<9x128xi32, #tpu.memory_space<vmem>> -> memref<1x128xi32, #tpu.memory_space<vmem>>
    %dma_start3A_607 = tpu.memref_squeeze %dma_start3A_606 : memref<1x128xi32, #tpu.memory_space<vmem>> -> memref<128xi32, #tpu.memory_space<vmem>>
    %dma_start3A_608 = arith.constant 0 : i32
    %dma_start3A_609 = arith.constant 0 : i32
    %dma_start3A_610 = tpu.memref_slice %arg2[%select_n3A, %dma_start3A_608, %dma_start3A_609] : memref<4x1024x192xf32, #tpu.memory_space<hbm>> -> memref<1x1024x192xf32, #tpu.memory_space<hbm>>
    %dma_start3A_611 = tpu.memref_squeeze %dma_start3A_610 : memref<1x1024x192xf32, #tpu.memory_space<hbm>> -> memref<1024x192xf32, #tpu.memory_space<hbm>>
    %dma_start3A_612 = arith.constant 0 : i32
    %dma_start3A_613 = arith.constant 0 : i32
    %dma_start3A_614 = tpu.memref_slice %dma_start3A_611[%dma_start3A_612, %dma_start3A_613] : memref<1024x192xf32, #tpu.memory_space<hbm>> -> memref<1024x192xf32, #tpu.memory_space<hbm>>
    tpu.enqueue_indirect_dma source(%dma_start3A_614 : memref<1024x192xf32, #tpu.memory_space<hbm>>) target(%dma_start3A_604 : memref<128x192xf32, #tpu.memory_space<vmem>>) offsets(%dma_start3A_607 : memref<128xi32, #tpu.memory_space<vmem>>) semaphore(%arg8 : memref<!tpu.dma_semaphore, #tpu.memory_space<semaphore_mem>>)
    %dma_wait3A_615 = arith.constant 5 : i32
    %dma_wait3A_616 = arith.constant 2 : i32
    %dma_wait3A_617 = arith.constant 0 : i32
    %dma_wait3A_618 = arith.constant 0 : i32
    %dma_wait3A_619 = tpu.memref_slice %arg6[%dma_wait3A_616, %dma_wait3A_617, %dma_wait3A_618] : memref<3x128x192xf32, #tpu.memory_space<vmem>> -> memref<1x128x192xf32, #tpu.memory_space<vmem>>
    %dma_wait3A_620 = tpu.memref_squeeze %dma_wait3A_619 : memref<1x128x192xf32, #tpu.memory_space<vmem>> -> memref<128x192xf32, #tpu.memory_space<vmem>>
    %dma_wait3A_621 = arith.constant 0 : i32
    %dma_wait3A_622 = tpu.memref_slice %arg5[%dma_wait3A_615, %dma_wait3A_621] : memref<9x128xi32, #tpu.memory_space<vmem>> -> memref<1x128xi32, #tpu.memory_space<vmem>>
    %dma_wait3A_623 = tpu.memref_squeeze %dma_wait3A_622 : memref<1x128xi32, #tpu.memory_space<vmem>> -> memref<128xi32, #tpu.memory_space<vmem>>
    %dma_wait3A_624 = arith.constant 0 : i32
    %dma_wait3A_625 = arith.constant 0 : i32
    %dma_wait3A_626 = tpu.memref_slice %arg2[%select_n3A, %dma_wait3A_624, %dma_wait3A_625] : memref<4x1024x192xf32, #tpu.memory_space<hbm>> -> memref<1x1024x192xf32, #tpu.memory_space<hbm>>
    %dma_wait3A_627 = tpu.memref_squeeze %dma_wait3A_626 : memref<1x1024x192xf32, #tpu.memory_space<hbm>> -> memref<1024x192xf32, #tpu.memory_space<hbm>>
    %dma_wait3A_628 = arith.constant 0 : i32
    %dma_wait3A_629 = arith.constant 0 : i32
    %dma_wait3A_630 = tpu.memref_slice %dma_wait3A_627[%dma_wait3A_628, %dma_wait3A_629] : memref<1024x192xf32, #tpu.memory_space<hbm>> -> memref<1024x192xf32, #tpu.memory_space<hbm>>
    tpu.wait_indirect_dma semaphore(%arg9 : memref<!tpu.dma_semaphore, #tpu.memory_space<semaphore_mem>>) src(%dma_wait3A_630 : memref<1024x192xf32, #tpu.memory_space<hbm>>) dst(%dma_wait3A_620 : memref<128x192xf32, #tpu.memory_space<vmem>>)
    %add3A_631 = arith.constant 640 : i32
    %add3A_632 = arith.addi %mul3A_32, %add3A_631 : i32
    %dma_start3A_633 = arith.constant 2 : i32
    %dma_start3A_634 = arith.constant 0 : i32
    %dma_start3A_635 = arith.constant 0 : i32
    %dma_start3A_636 = tpu.memref_slice %arg6[%dma_start3A_633, %dma_start3A_634, %dma_start3A_635] : memref<3x128x192xf32, #tpu.memory_space<vmem>> -> memref<1x128x192xf32, #tpu.memory_space<vmem>>
    %dma_start3A_637 = tpu.memref_squeeze %dma_start3A_636 : memref<1x128x192xf32, #tpu.memory_space<vmem>> -> memref<128x192xf32, #tpu.memory_space<vmem>>
    %dma_start3A_638 = arith.constant 0 : i32
    %dma_start3A_639 = tpu.memref_slice %arg4[%add3A_632, %select_n3A, %dma_start3A_638] : memref<9216x4x192xf32, #tpu.memory_space<hbm>> -> memref<128x1x192xf32, #tpu.memory_space<hbm>>
    %dma_start3A_640 = tpu.memref_squeeze %dma_start3A_639 : memref<128x1x192xf32, #tpu.memory_space<hbm>> -> memref<128x192xf32, #tpu.memory_space<hbm>>
    %dma_start3A_641 = arith.constant 0 : i32
    %dma_start3A_642 = tpu.memref_slice %arg4[%add3A_632, %select_n3A, %dma_start3A_641] : memref<9216x4x192xf32, #tpu.memory_space<hbm>> -> memref<128x1x192xf32, #tpu.memory_space<hbm>>
    %dma_start3A_643 = tpu.memref_squeeze %dma_start3A_642 : memref<128x1x192xf32, #tpu.memory_space<hbm>> -> memref<128x192xf32, #tpu.memory_space<hbm>>
    %dma_start3A_644 = arith.constant 0 : i32
    %dma_start3A_645 = arith.constant 0 : i32
    %dma_start3A_646 = tpu.memref_slice %arg6[%dma_start3A_633, %dma_start3A_644, %dma_start3A_645] : memref<3x128x192xf32, #tpu.memory_space<vmem>> -> memref<1x128x192xf32, #tpu.memory_space<vmem>>
    %dma_start3A_647 = tpu.memref_squeeze %dma_start3A_646 : memref<1x128x192xf32, #tpu.memory_space<vmem>> -> memref<128x192xf32, #tpu.memory_space<vmem>>
    tpu.enqueue_dma source(%dma_start3A_647 : memref<128x192xf32, #tpu.memory_space<vmem>>) target(%dma_start3A_643 : memref<128x192xf32, #tpu.memory_space<hbm>>) target_semaphore(%arg12 : memref<!tpu.dma_semaphore, #tpu.memory_space<semaphore_mem>>)
    %dma_wait3A_648 = arith.constant 2 : i32
    %dma_wait3A_649 = arith.constant 0 : i32
    %dma_wait3A_650 = arith.constant 0 : i32
    %dma_wait3A_651 = tpu.memref_slice %arg6[%dma_wait3A_648, %dma_wait3A_649, %dma_wait3A_650] : memref<3x128x192xf32, #tpu.memory_space<vmem>> -> memref<1x128x192xf32, #tpu.memory_space<vmem>>
    %dma_wait3A_652 = tpu.memref_squeeze %dma_wait3A_651 : memref<1x128x192xf32, #tpu.memory_space<vmem>> -> memref<128x192xf32, #tpu.memory_space<vmem>>
    %dma_wait3A_653 = arith.constant 0 : i32
    %dma_wait3A_654 = tpu.memref_slice %arg4[%add3A_632, %select_n3A, %dma_wait3A_653] : memref<9216x4x192xf32, #tpu.memory_space<hbm>> -> memref<128x1x192xf32, #tpu.memory_space<hbm>>
    %dma_wait3A_655 = tpu.memref_squeeze %dma_wait3A_654 : memref<128x1x192xf32, #tpu.memory_space<hbm>> -> memref<128x192xf32, #tpu.memory_space<hbm>>
    %dma_wait3A_656 = arith.constant 0 : i32
    %dma_wait3A_657 = tpu.memref_slice %arg4[%add3A_632, %select_n3A, %dma_wait3A_656] : memref<9216x4x192xf32, #tpu.memory_space<hbm>> -> memref<128x1x192xf32, #tpu.memory_space<hbm>>
    %dma_wait3A_658 = tpu.memref_squeeze %dma_wait3A_657 : memref<128x1x192xf32, #tpu.memory_space<hbm>> -> memref<128x192xf32, #tpu.memory_space<hbm>>
    %dma_wait3A_659 = arith.constant 0 : i32
    %dma_wait3A_660 = arith.constant 0 : i32
    %dma_wait3A_661 = tpu.memref_slice %arg6[%dma_wait3A_648, %dma_wait3A_659, %dma_wait3A_660] : memref<3x128x192xf32, #tpu.memory_space<vmem>> -> memref<1x128x192xf32, #tpu.memory_space<vmem>>
    %dma_wait3A_662 = tpu.memref_squeeze %dma_wait3A_661 : memref<1x128x192xf32, #tpu.memory_space<vmem>> -> memref<128x192xf32, #tpu.memory_space<vmem>>
    tpu.wait_dma2 semaphore(%arg12 : memref<!tpu.dma_semaphore, #tpu.memory_space<semaphore_mem>>) src(%dma_wait3A_662 : memref<128x192xf32, #tpu.memory_space<vmem>>) dst(%dma_wait3A_658 : memref<128x192xf32, #tpu.memory_space<hbm>>)
    %dma_start3A_663 = arith.constant 8 : i32
    %dma_start3A_664 = arith.constant 2 : i32
    %dma_start3A_665 = arith.constant 0 : i32
    %dma_start3A_666 = arith.constant 0 : i32
    %dma_start3A_667 = tpu.memref_slice %arg6[%dma_start3A_664, %dma_start3A_665, %dma_start3A_666] : memref<3x128x192xf32, #tpu.memory_space<vmem>> -> memref<1x128x192xf32, #tpu.memory_space<vmem>>
    %dma_start3A_668 = tpu.memref_squeeze %dma_start3A_667 : memref<1x128x192xf32, #tpu.memory_space<vmem>> -> memref<128x192xf32, #tpu.memory_space<vmem>>
    %dma_start3A_669 = arith.constant 0 : i32
    %dma_start3A_670 = tpu.memref_slice %arg5[%dma_start3A_663, %dma_start3A_669] : memref<9x128xi32, #tpu.memory_space<vmem>> -> memref<1x128xi32, #tpu.memory_space<vmem>>
    %dma_start3A_671 = tpu.memref_squeeze %dma_start3A_670 : memref<1x128xi32, #tpu.memory_space<vmem>> -> memref<128xi32, #tpu.memory_space<vmem>>
    %dma_start3A_672 = arith.constant 0 : i32
    %dma_start3A_673 = arith.constant 0 : i32
    %dma_start3A_674 = tpu.memref_slice %arg2[%select_n3A, %dma_start3A_672, %dma_start3A_673] : memref<4x1024x192xf32, #tpu.memory_space<hbm>> -> memref<1x1024x192xf32, #tpu.memory_space<hbm>>
    %dma_start3A_675 = tpu.memref_squeeze %dma_start3A_674 : memref<1x1024x192xf32, #tpu.memory_space<hbm>> -> memref<1024x192xf32, #tpu.memory_space<hbm>>
    %dma_start3A_676 = arith.constant 0 : i32
    %dma_start3A_677 = arith.constant 0 : i32
    %dma_start3A_678 = tpu.memref_slice %dma_start3A_675[%dma_start3A_676, %dma_start3A_677] : memref<1024x192xf32, #tpu.memory_space<hbm>> -> memref<1024x192xf32, #tpu.memory_space<hbm>>
    tpu.enqueue_indirect_dma source(%dma_start3A_678 : memref<1024x192xf32, #tpu.memory_space<hbm>>) target(%dma_start3A_668 : memref<128x192xf32, #tpu.memory_space<vmem>>) offsets(%dma_start3A_671 : memref<128xi32, #tpu.memory_space<vmem>>) semaphore(%arg9 : memref<!tpu.dma_semaphore, #tpu.memory_space<semaphore_mem>>)
    %dma_wait3A_679 = arith.constant 6 : i32
    %dma_wait3A_680 = arith.constant 0 : i32
    %dma_wait3A_681 = arith.constant 0 : i32
    %dma_wait3A_682 = arith.constant 0 : i32
    %dma_wait3A_683 = tpu.memref_slice %arg6[%dma_wait3A_680, %dma_wait3A_681, %dma_wait3A_682] : memref<3x128x192xf32, #tpu.memory_space<vmem>> -> memref<1x128x192xf32, #tpu.memory_space<vmem>>
    %dma_wait3A_684 = tpu.memref_squeeze %dma_wait3A_683 : memref<1x128x192xf32, #tpu.memory_space<vmem>> -> memref<128x192xf32, #tpu.memory_space<vmem>>
    %dma_wait3A_685 = arith.constant 0 : i32
    %dma_wait3A_686 = tpu.memref_slice %arg5[%dma_wait3A_679, %dma_wait3A_685] : memref<9x128xi32, #tpu.memory_space<vmem>> -> memref<1x128xi32, #tpu.memory_space<vmem>>
    %dma_wait3A_687 = tpu.memref_squeeze %dma_wait3A_686 : memref<1x128xi32, #tpu.memory_space<vmem>> -> memref<128xi32, #tpu.memory_space<vmem>>
    %dma_wait3A_688 = arith.constant 0 : i32
    %dma_wait3A_689 = arith.constant 0 : i32
    %dma_wait3A_690 = tpu.memref_slice %arg2[%select_n3A, %dma_wait3A_688, %dma_wait3A_689] : memref<4x1024x192xf32, #tpu.memory_space<hbm>> -> memref<1x1024x192xf32, #tpu.memory_space<hbm>>
    %dma_wait3A_691 = tpu.memref_squeeze %dma_wait3A_690 : memref<1x1024x192xf32, #tpu.memory_space<hbm>> -> memref<1024x192xf32, #tpu.memory_space<hbm>>
    %dma_wait3A_692 = arith.constant 0 : i32
    %dma_wait3A_693 = arith.constant 0 : i32
    %dma_wait3A_694 = tpu.memref_slice %dma_wait3A_691[%dma_wait3A_692, %dma_wait3A_693] : memref<1024x192xf32, #tpu.memory_space<hbm>> -> memref<1024x192xf32, #tpu.memory_space<hbm>>
    tpu.wait_indirect_dma semaphore(%arg7 : memref<!tpu.dma_semaphore, #tpu.memory_space<semaphore_mem>>) src(%dma_wait3A_694 : memref<1024x192xf32, #tpu.memory_space<hbm>>) dst(%dma_wait3A_684 : memref<128x192xf32, #tpu.memory_space<vmem>>)
    %add3A_695 = arith.constant 768 : i32
    %add3A_696 = arith.addi %mul3A_32, %add3A_695 : i32
    %dma_start3A_697 = arith.constant 0 : i32
    %dma_start3A_698 = arith.constant 0 : i32
    %dma_start3A_699 = arith.constant 0 : i32
    %dma_start3A_700 = tpu.memref_slice %arg6[%dma_start3A_697, %dma_start3A_698, %dma_start3A_699] : memref<3x128x192xf32, #tpu.memory_space<vmem>> -> memref<1x128x192xf32, #tpu.memory_space<vmem>>
    %dma_start3A_701 = tpu.memref_squeeze %dma_start3A_700 : memref<1x128x192xf32, #tpu.memory_space<vmem>> -> memref<128x192xf32, #tpu.memory_space<vmem>>
    %dma_start3A_702 = arith.constant 0 : i32
    %dma_start3A_703 = tpu.memref_slice %arg4[%add3A_696, %select_n3A, %dma_start3A_702] : memref<9216x4x192xf32, #tpu.memory_space<hbm>> -> memref<128x1x192xf32, #tpu.memory_space<hbm>>
    %dma_start3A_704 = tpu.memref_squeeze %dma_start3A_703 : memref<128x1x192xf32, #tpu.memory_space<hbm>> -> memref<128x192xf32, #tpu.memory_space<hbm>>
    %dma_start3A_705 = arith.constant 0 : i32
    %dma_start3A_706 = tpu.memref_slice %arg4[%add3A_696, %select_n3A, %dma_start3A_705] : memref<9216x4x192xf32, #tpu.memory_space<hbm>> -> memref<128x1x192xf32, #tpu.memory_space<hbm>>
    %dma_start3A_707 = tpu.memref_squeeze %dma_start3A_706 : memref<128x1x192xf32, #tpu.memory_space<hbm>> -> memref<128x192xf32, #tpu.memory_space<hbm>>
    %dma_start3A_708 = arith.constant 0 : i32
    %dma_start3A_709 = arith.constant 0 : i32
    %dma_start3A_710 = tpu.memref_slice %arg6[%dma_start3A_697, %dma_start3A_708, %dma_start3A_709] : memref<3x128x192xf32, #tpu.memory_space<vmem>> -> memref<1x128x192xf32, #tpu.memory_space<vmem>>
    %dma_start3A_711 = tpu.memref_squeeze %dma_start3A_710 : memref<1x128x192xf32, #tpu.memory_space<vmem>> -> memref<128x192xf32, #tpu.memory_space<vmem>>
    tpu.enqueue_dma source(%dma_start3A_711 : memref<128x192xf32, #tpu.memory_space<vmem>>) target(%dma_start3A_707 : memref<128x192xf32, #tpu.memory_space<hbm>>) target_semaphore(%arg10 : memref<!tpu.dma_semaphore, #tpu.memory_space<semaphore_mem>>)
    %dma_wait3A_712 = arith.constant 0 : i32
    %dma_wait3A_713 = arith.constant 0 : i32
    %dma_wait3A_714 = arith.constant 0 : i32
    %dma_wait3A_715 = tpu.memref_slice %arg6[%dma_wait3A_712, %dma_wait3A_713, %dma_wait3A_714] : memref<3x128x192xf32, #tpu.memory_space<vmem>> -> memref<1x128x192xf32, #tpu.memory_space<vmem>>
    %dma_wait3A_716 = tpu.memref_squeeze %dma_wait3A_715 : memref<1x128x192xf32, #tpu.memory_space<vmem>> -> memref<128x192xf32, #tpu.memory_space<vmem>>
    %dma_wait3A_717 = arith.constant 0 : i32
    %dma_wait3A_718 = tpu.memref_slice %arg4[%add3A_696, %select_n3A, %dma_wait3A_717] : memref<9216x4x192xf32, #tpu.memory_space<hbm>> -> memref<128x1x192xf32, #tpu.memory_space<hbm>>
    %dma_wait3A_719 = tpu.memref_squeeze %dma_wait3A_718 : memref<128x1x192xf32, #tpu.memory_space<hbm>> -> memref<128x192xf32, #tpu.memory_space<hbm>>
    %dma_wait3A_720 = arith.constant 0 : i32
    %dma_wait3A_721 = tpu.memref_slice %arg4[%add3A_696, %select_n3A, %dma_wait3A_720] : memref<9216x4x192xf32, #tpu.memory_space<hbm>> -> memref<128x1x192xf32, #tpu.memory_space<hbm>>
    %dma_wait3A_722 = tpu.memref_squeeze %dma_wait3A_721 : memref<128x1x192xf32, #tpu.memory_space<hbm>> -> memref<128x192xf32, #tpu.memory_space<hbm>>
    %dma_wait3A_723 = arith.constant 0 : i32
    %dma_wait3A_724 = arith.constant 0 : i32
    %dma_wait3A_725 = tpu.memref_slice %arg6[%dma_wait3A_712, %dma_wait3A_723, %dma_wait3A_724] : memref<3x128x192xf32, #tpu.memory_space<vmem>> -> memref<1x128x192xf32, #tpu.memory_space<vmem>>
    %dma_wait3A_726 = tpu.memref_squeeze %dma_wait3A_725 : memref<1x128x192xf32, #tpu.memory_space<vmem>> -> memref<128x192xf32, #tpu.memory_space<vmem>>
    tpu.wait_dma2 semaphore(%arg10 : memref<!tpu.dma_semaphore, #tpu.memory_space<semaphore_mem>>) src(%dma_wait3A_726 : memref<128x192xf32, #tpu.memory_space<vmem>>) dst(%dma_wait3A_722 : memref<128x192xf32, #tpu.memory_space<hbm>>)
    %dma_wait3A_727 = arith.constant 7 : i32
    %dma_wait3A_728 = arith.constant 1 : i32
    %dma_wait3A_729 = arith.constant 0 : i32
    %dma_wait3A_730 = arith.constant 0 : i32
    %dma_wait3A_731 = tpu.memref_slice %arg6[%dma_wait3A_728, %dma_wait3A_729, %dma_wait3A_730] : memref<3x128x192xf32, #tpu.memory_space<vmem>> -> memref<1x128x192xf32, #tpu.memory_space<vmem>>
    %dma_wait3A_732 = tpu.memref_squeeze %dma_wait3A_731 : memref<1x128x192xf32, #tpu.memory_space<vmem>> -> memref<128x192xf32, #tpu.memory_space<vmem>>
    %dma_wait3A_733 = arith.constant 0 : i32
    %dma_wait3A_734 = tpu.memref_slice %arg5[%dma_wait3A_727, %dma_wait3A_733] : memref<9x128xi32, #tpu.memory_space<vmem>> -> memref<1x128xi32, #tpu.memory_space<vmem>>
    %dma_wait3A_735 = tpu.memref_squeeze %dma_wait3A_734 : memref<1x128xi32, #tpu.memory_space<vmem>> -> memref<128xi32, #tpu.memory_space<vmem>>
    %dma_wait3A_736 = arith.constant 0 : i32
    %dma_wait3A_737 = arith.constant 0 : i32
    %dma_wait3A_738 = tpu.memref_slice %arg2[%select_n3A, %dma_wait3A_736, %dma_wait3A_737] : memref<4x1024x192xf32, #tpu.memory_space<hbm>> -> memref<1x1024x192xf32, #tpu.memory_space<hbm>>
    %dma_wait3A_739 = tpu.memref_squeeze %dma_wait3A_738 : memref<1x1024x192xf32, #tpu.memory_space<hbm>> -> memref<1024x192xf32, #tpu.memory_space<hbm>>
    %dma_wait3A_740 = arith.constant 0 : i32
    %dma_wait3A_741 = arith.constant 0 : i32
    %dma_wait3A_742 = tpu.memref_slice %dma_wait3A_739[%dma_wait3A_740, %dma_wait3A_741] : memref<1024x192xf32, #tpu.memory_space<hbm>> -> memref<1024x192xf32, #tpu.memory_space<hbm>>
    tpu.wait_indirect_dma semaphore(%arg8 : memref<!tpu.dma_semaphore, #tpu.memory_space<semaphore_mem>>) src(%dma_wait3A_742 : memref<1024x192xf32, #tpu.memory_space<hbm>>) dst(%dma_wait3A_732 : memref<128x192xf32, #tpu.memory_space<vmem>>)
    %add3A_743 = arith.constant 896 : i32
    %add3A_744 = arith.addi %mul3A_32, %add3A_743 : i32
    %dma_start3A_745 = arith.constant 1 : i32
    %dma_start3A_746 = arith.constant 0 : i32
    %dma_start3A_747 = arith.constant 0 : i32
    %dma_start3A_748 = tpu.memref_slice %arg6[%dma_start3A_745, %dma_start3A_746, %dma_start3A_747] : memref<3x128x192xf32, #tpu.memory_space<vmem>> -> memref<1x128x192xf32, #tpu.memory_space<vmem>>
    %dma_start3A_749 = tpu.memref_squeeze %dma_start3A_748 : memref<1x128x192xf32, #tpu.memory_space<vmem>> -> memref<128x192xf32, #tpu.memory_space<vmem>>
    %dma_start3A_750 = arith.constant 0 : i32
    %dma_start3A_751 = tpu.memref_slice %arg4[%add3A_744, %select_n3A, %dma_start3A_750] : memref<9216x4x192xf32, #tpu.memory_space<hbm>> -> memref<128x1x192xf32, #tpu.memory_space<hbm>>
    %dma_start3A_752 = tpu.memref_squeeze %dma_start3A_751 : memref<128x1x192xf32, #tpu.memory_space<hbm>> -> memref<128x192xf32, #tpu.memory_space<hbm>>
    %dma_start3A_753 = arith.constant 0 : i32
    %dma_start3A_754 = tpu.memref_slice %arg4[%add3A_744, %select_n3A, %dma_start3A_753] : memref<9216x4x192xf32, #tpu.memory_space<hbm>> -> memref<128x1x192xf32, #tpu.memory_space<hbm>>
    %dma_start3A_755 = tpu.memref_squeeze %dma_start3A_754 : memref<128x1x192xf32, #tpu.memory_space<hbm>> -> memref<128x192xf32, #tpu.memory_space<hbm>>
    %dma_start3A_756 = arith.constant 0 : i32
    %dma_start3A_757 = arith.constant 0 : i32
    %dma_start3A_758 = tpu.memref_slice %arg6[%dma_start3A_745, %dma_start3A_756, %dma_start3A_757] : memref<3x128x192xf32, #tpu.memory_space<vmem>> -> memref<1x128x192xf32, #tpu.memory_space<vmem>>
    %dma_start3A_759 = tpu.memref_squeeze %dma_start3A_758 : memref<1x128x192xf32, #tpu.memory_space<vmem>> -> memref<128x192xf32, #tpu.memory_space<vmem>>
    tpu.enqueue_dma source(%dma_start3A_759 : memref<128x192xf32, #tpu.memory_space<vmem>>) target(%dma_start3A_755 : memref<128x192xf32, #tpu.memory_space<hbm>>) target_semaphore(%arg11 : memref<!tpu.dma_semaphore, #tpu.memory_space<semaphore_mem>>)
    %dma_wait3A_760 = arith.constant 1 : i32
    %dma_wait3A_761 = arith.constant 0 : i32
    %dma_wait3A_762 = arith.constant 0 : i32
    %dma_wait3A_763 = tpu.memref_slice %arg6[%dma_wait3A_760, %dma_wait3A_761, %dma_wait3A_762] : memref<3x128x192xf32, #tpu.memory_space<vmem>> -> memref<1x128x192xf32, #tpu.memory_space<vmem>>
    %dma_wait3A_764 = tpu.memref_squeeze %dma_wait3A_763 : memref<1x128x192xf32, #tpu.memory_space<vmem>> -> memref<128x192xf32, #tpu.memory_space<vmem>>
    %dma_wait3A_765 = arith.constant 0 : i32
    %dma_wait3A_766 = tpu.memref_slice %arg4[%add3A_744, %select_n3A, %dma_wait3A_765] : memref<9216x4x192xf32, #tpu.memory_space<hbm>> -> memref<128x1x192xf32, #tpu.memory_space<hbm>>
    %dma_wait3A_767 = tpu.memref_squeeze %dma_wait3A_766 : memref<128x1x192xf32, #tpu.memory_space<hbm>> -> memref<128x192xf32, #tpu.memory_space<hbm>>
    %dma_wait3A_768 = arith.constant 0 : i32
    %dma_wait3A_769 = tpu.memref_slice %arg4[%add3A_744, %select_n3A, %dma_wait3A_768] : memref<9216x4x192xf32, #tpu.memory_space<hbm>> -> memref<128x1x192xf32, #tpu.memory_space<hbm>>
    %dma_wait3A_770 = tpu.memref_squeeze %dma_wait3A_769 : memref<128x1x192xf32, #tpu.memory_space<hbm>> -> memref<128x192xf32, #tpu.memory_space<hbm>>
    %dma_wait3A_771 = arith.constant 0 : i32
    %dma_wait3A_772 = arith.constant 0 : i32
    %dma_wait3A_773 = tpu.memref_slice %arg6[%dma_wait3A_760, %dma_wait3A_771, %dma_wait3A_772] : memref<3x128x192xf32, #tpu.memory_space<vmem>> -> memref<1x128x192xf32, #tpu.memory_space<vmem>>
    %dma_wait3A_774 = tpu.memref_squeeze %dma_wait3A_773 : memref<1x128x192xf32, #tpu.memory_space<vmem>> -> memref<128x192xf32, #tpu.memory_space<vmem>>
    tpu.wait_dma2 semaphore(%arg11 : memref<!tpu.dma_semaphore, #tpu.memory_space<semaphore_mem>>) src(%dma_wait3A_774 : memref<128x192xf32, #tpu.memory_space<vmem>>) dst(%dma_wait3A_770 : memref<128x192xf32, #tpu.memory_space<hbm>>)
    %dma_wait3A_775 = arith.constant 8 : i32
    %dma_wait3A_776 = arith.constant 2 : i32
    %dma_wait3A_777 = arith.constant 0 : i32
    %dma_wait3A_778 = arith.constant 0 : i32
    %dma_wait3A_779 = tpu.memref_slice %arg6[%dma_wait3A_776, %dma_wait3A_777, %dma_wait3A_778] : memref<3x128x192xf32, #tpu.memory_space<vmem>> -> memref<1x128x192xf32, #tpu.memory_space<vmem>>
    %dma_wait3A_780 = tpu.memref_squeeze %dma_wait3A_779 : memref<1x128x192xf32, #tpu.memory_space<vmem>> -> memref<128x192xf32, #tpu.memory_space<vmem>>
    %dma_wait3A_781 = arith.constant 0 : i32
    %dma_wait3A_782 = tpu.memref_slice %arg5[%dma_wait3A_775, %dma_wait3A_781] : memref<9x128xi32, #tpu.memory_space<vmem>> -> memref<1x128xi32, #tpu.memory_space<vmem>>
    %dma_wait3A_783 = tpu.memref_squeeze %dma_wait3A_782 : memref<1x128xi32, #tpu.memory_space<vmem>> -> memref<128xi32, #tpu.memory_space<vmem>>
    %dma_wait3A_784 = arith.constant 0 : i32
    %dma_wait3A_785 = arith.constant 0 : i32
    %dma_wait3A_786 = tpu.memref_slice %arg2[%select_n3A, %dma_wait3A_784, %dma_wait3A_785] : memref<4x1024x192xf32, #tpu.memory_space<hbm>> -> memref<1x1024x192xf32, #tpu.memory_space<hbm>>
    %dma_wait3A_787 = tpu.memref_squeeze %dma_wait3A_786 : memref<1x1024x192xf32, #tpu.memory_space<hbm>> -> memref<1024x192xf32, #tpu.memory_space<hbm>>
    %dma_wait3A_788 = arith.constant 0 : i32
    %dma_wait3A_789 = arith.constant 0 : i32
    %dma_wait3A_790 = tpu.memref_slice %dma_wait3A_787[%dma_wait3A_788, %dma_wait3A_789] : memref<1024x192xf32, #tpu.memory_space<hbm>> -> memref<1024x192xf32, #tpu.memory_space<hbm>>
    tpu.wait_indirect_dma semaphore(%arg9 : memref<!tpu.dma_semaphore, #tpu.memory_space<semaphore_mem>>) src(%dma_wait3A_790 : memref<1024x192xf32, #tpu.memory_space<hbm>>) dst(%dma_wait3A_780 : memref<128x192xf32, #tpu.memory_space<vmem>>)
    %add3A_791 = arith.constant 1024 : i32
    %add3A_792 = arith.addi %mul3A_32, %add3A_791 : i32
    %dma_start3A_793 = arith.constant 2 : i32
    %dma_start3A_794 = arith.constant 0 : i32
    %dma_start3A_795 = arith.constant 0 : i32
    %dma_start3A_796 = tpu.memref_slice %arg6[%dma_start3A_793, %dma_start3A_794, %dma_start3A_795] : memref<3x128x192xf32, #tpu.memory_space<vmem>> -> memref<1x128x192xf32, #tpu.memory_space<vmem>>
    %dma_start3A_797 = tpu.memref_squeeze %dma_start3A_796 : memref<1x128x192xf32, #tpu.memory_space<vmem>> -> memref<128x192xf32, #tpu.memory_space<vmem>>
    %dma_start3A_798 = arith.constant 0 : i32
    %dma_start3A_799 = tpu.memref_slice %arg4[%add3A_792, %select_n3A, %dma_start3A_798] : memref<9216x4x192xf32, #tpu.memory_space<hbm>> -> memref<128x1x192xf32, #tpu.memory_space<hbm>>
    %dma_start3A_800 = tpu.memref_squeeze %dma_start3A_799 : memref<128x1x192xf32, #tpu.memory_space<hbm>> -> memref<128x192xf32, #tpu.memory_space<hbm>>
    %dma_start3A_801 = arith.constant 0 : i32
    %dma_start3A_802 = tpu.memref_slice %arg4[%add3A_792, %select_n3A, %dma_start3A_801] : memref<9216x4x192xf32, #tpu.memory_space<hbm>> -> memref<128x1x192xf32, #tpu.memory_space<hbm>>
    %dma_start3A_803 = tpu.memref_squeeze %dma_start3A_802 : memref<128x1x192xf32, #tpu.memory_space<hbm>> -> memref<128x192xf32, #tpu.memory_space<hbm>>
    %dma_start3A_804 = arith.constant 0 : i32
    %dma_start3A_805 = arith.constant 0 : i32
    %dma_start3A_806 = tpu.memref_slice %arg6[%dma_start3A_793, %dma_start3A_804, %dma_start3A_805] : memref<3x128x192xf32, #tpu.memory_space<vmem>> -> memref<1x128x192xf32, #tpu.memory_space<vmem>>
    %dma_start3A_807 = tpu.memref_squeeze %dma_start3A_806 : memref<1x128x192xf32, #tpu.memory_space<vmem>> -> memref<128x192xf32, #tpu.memory_space<vmem>>
    tpu.enqueue_dma source(%dma_start3A_807 : memref<128x192xf32, #tpu.memory_space<vmem>>) target(%dma_start3A_803 : memref<128x192xf32, #tpu.memory_space<hbm>>) target_semaphore(%arg12 : memref<!tpu.dma_semaphore, #tpu.memory_space<semaphore_mem>>)
    %dma_wait3A_808 = arith.constant 2 : i32
    %dma_wait3A_809 = arith.constant 0 : i32
    %dma_wait3A_810 = arith.constant 0 : i32
    %dma_wait3A_811 = tpu.memref_slice %arg6[%dma_wait3A_808, %dma_wait3A_809, %dma_wait3A_810] : memref<3x128x192xf32, #tpu.memory_space<vmem>> -> memref<1x128x192xf32, #tpu.memory_space<vmem>>
    %dma_wait3A_812 = tpu.memref_squeeze %dma_wait3A_811 : memref<1x128x192xf32, #tpu.memory_space<vmem>> -> memref<128x192xf32, #tpu.memory_space<vmem>>
    %dma_wait3A_813 = arith.constant 0 : i32
    %dma_wait3A_814 = tpu.memref_slice %arg4[%add3A_792, %select_n3A, %dma_wait3A_813] : memref<9216x4x192xf32, #tpu.memory_space<hbm>> -> memref<128x1x192xf32, #tpu.memory_space<hbm>>
    %dma_wait3A_815 = tpu.memref_squeeze %dma_wait3A_814 : memref<128x1x192xf32, #tpu.memory_space<hbm>> -> memref<128x192xf32, #tpu.memory_space<hbm>>
    %dma_wait3A_816 = arith.constant 0 : i32
    %dma_wait3A_817 = tpu.memref_slice %arg4[%add3A_792, %select_n3A, %dma_wait3A_816] : memref<9216x4x192xf32, #tpu.memory_space<hbm>> -> memref<128x1x192xf32, #tpu.memory_space<hbm>>
    %dma_wait3A_818 = tpu.memref_squeeze %dma_wait3A_817 : memref<128x1x192xf32, #tpu.memory_space<hbm>> -> memref<128x192xf32, #tpu.memory_space<hbm>>
    %dma_wait3A_819 = arith.constant 0 : i32
    %dma_wait3A_820 = arith.constant 0 : i32
    %dma_wait3A_821 = tpu.memref_slice %arg6[%dma_wait3A_808, %dma_wait3A_819, %dma_wait3A_820] : memref<3x128x192xf32, #tpu.memory_space<vmem>> -> memref<1x128x192xf32, #tpu.memory_space<vmem>>
    %dma_wait3A_822 = tpu.memref_squeeze %dma_wait3A_821 : memref<1x128x192xf32, #tpu.memory_space<vmem>> -> memref<128x192xf32, #tpu.memory_space<vmem>>
    tpu.wait_dma2 semaphore(%arg12 : memref<!tpu.dma_semaphore, #tpu.memory_space<semaphore_mem>>) src(%dma_wait3A_822 : memref<128x192xf32, #tpu.memory_space<vmem>>) dst(%dma_wait3A_818 : memref<128x192xf32, #tpu.memory_space<hbm>>)
    return
  }
}

module attributes {stable_mosaic.version = 14 : i64} {
  func.func @_dist_kernel(%arg0: i32, %arg1: memref<512x768xf32, #tpu.memory_space<vmem>>, %arg2: memref<4x1024x192xf32, #tpu.memory_space<vmem>>, %arg3: memref<4x512xi32, #tpu.memory_space<vmem>>, %arg4: memref<1x1x1xf32, #tpu.memory_space<vmem>>, %arg5: memref<4x1x1024xf32, #tpu.memory_space<vmem>>) attributes {dimension_semantics = [#tpu.dimension_semantics<arbitrary>], iteration_bounds = array<i64: 18>, scalar_prefetch = 0 : i64, scratch_operands = 1 : i64, tpu.core_type = #tpu.core_type<tc>, window_params = [{transform_indices = @transform_0, window_bounds = array<i64: 512, 768>}, {pipeline_mode = #tpu.pipeline_mode<synchronous>, transform_indices = @transform_1, window_bounds = array<i64: 4, 1024, 192>}, {transform_indices = @transform_2, window_bounds = array<i64: 4, 512>}, {transform_indices = @transform_3, window_bounds = array<i64: 1, 1, 1>}]} {
    %eq3A = arith.constant 0 : i32
    %eq3A_0 = arith.cmpi eq, %arg0, %eq3A : i32
    %convert_element_type3A = arith.extui %eq3A_0 : i1 to i32
    %cond3A = arith.constant 0 : i32
    %cond3A_1 = arith.cmpi ne, %convert_element_type3A, %cond3A : i32
    scf.if %cond3A_1 {
      %get3A_186 = arith.constant 0 : index
      %get3A_187 = arith.constant 0 : index
      %get3A_188 = arith.constant 0 : index
      %get3A_189 = vector.load %arg2[%get3A_186, %get3A_187, %get3A_188] : memref<4x1024x192xf32, #tpu.memory_space<vmem>>, vector<1x1024x192xf32>
      %get3A_190 = vector.shape_cast %get3A_189 : vector<1x1024x192xf32> to vector<1024x192xf32>
      %mul3A_191 = arith.mulf %get3A_190, %get3A_190 : vector<1024x192xf32>
      %reduce_sum3A_192 = arith.constant dense<0.000000e+00> : vector<1024xf32>
      %reduce_sum3A_193 = vector.multi_reduction <add>, %mul3A_191, %reduce_sum3A_192 [1] : vector<1024x192xf32> to vector<1024xf32>
      %broadcast_in_dim3A_194 = vector.shape_cast %reduce_sum3A_193 : vector<1024xf32> to vector<1x1024xf32>
      %swap3A_195 = arith.constant 0 : index
      %swap3A_196 = arith.constant 0 : index
      %swap3A_197 = arith.constant 0 : index
      %swap3A_198 = vector.load %arg5[%swap3A_195, %swap3A_196, %swap3A_197] : memref<4x1x1024xf32, #tpu.memory_space<vmem>>, vector<1x1x1024xf32>
      %swap3A_199 = vector.shape_cast %swap3A_198 : vector<1x1x1024xf32> to vector<1x1024xf32>
      %swap3A_200 = vector.shape_cast %broadcast_in_dim3A_194 : vector<1x1024xf32> to vector<1x1x1024xf32>
      tpu.vector_store %arg5[%swap3A_195, %swap3A_196, %swap3A_197], %swap3A_200 {strides = array<i32>} : memref<4x1x1024xf32, #tpu.memory_space<vmem>>, vector<1x1x1024xf32>,
      %get3A_201 = arith.constant 1 : index
      %get3A_202 = arith.constant 0 : index
      %get3A_203 = arith.constant 0 : index
      %get3A_204 = vector.load %arg2[%get3A_201, %get3A_202, %get3A_203] : memref<4x1024x192xf32, #tpu.memory_space<vmem>>, vector<1x1024x192xf32>
      %get3A_205 = vector.shape_cast %get3A_204 : vector<1x1024x192xf32> to vector<1024x192xf32>
      %mul3A_206 = arith.mulf %get3A_205, %get3A_205 : vector<1024x192xf32>
      %reduce_sum3A_207 = arith.constant dense<0.000000e+00> : vector<1024xf32>
      %reduce_sum3A_208 = vector.multi_reduction <add>, %mul3A_206, %reduce_sum3A_207 [1] : vector<1024x192xf32> to vector<1024xf32>
      %broadcast_in_dim3A_209 = vector.shape_cast %reduce_sum3A_208 : vector<1024xf32> to vector<1x1024xf32>
      %swap3A_210 = arith.constant 1 : index
      %swap3A_211 = arith.constant 0 : index
      %swap3A_212 = arith.constant 0 : index
      %swap3A_213 = vector.load %arg5[%swap3A_210, %swap3A_211, %swap3A_212] : memref<4x1x1024xf32, #tpu.memory_space<vmem>>, vector<1x1x1024xf32>
      %swap3A_214 = vector.shape_cast %swap3A_213 : vector<1x1x1024xf32> to vector<1x1024xf32>
      %swap3A_215 = vector.shape_cast %broadcast_in_dim3A_209 : vector<1x1024xf32> to vector<1x1x1024xf32>
      tpu.vector_store %arg5[%swap3A_210, %swap3A_211, %swap3A_212], %swap3A_215 {strides = array<i32>} : memref<4x1x1024xf32, #tpu.memory_space<vmem>>, vector<1x1x1024xf32>,
      %get3A_216 = arith.constant 2 : index
      %get3A_217 = arith.constant 0 : index
      %get3A_218 = arith.constant 0 : index
      %get3A_219 = vector.load %arg2[%get3A_216, %get3A_217, %get3A_218] : memref<4x1024x192xf32, #tpu.memory_space<vmem>>, vector<1x1024x192xf32>
      %get3A_220 = vector.shape_cast %get3A_219 : vector<1x1024x192xf32> to vector<1024x192xf32>
      %mul3A_221 = arith.mulf %get3A_220, %get3A_220 : vector<1024x192xf32>
      %reduce_sum3A_222 = arith.constant dense<0.000000e+00> : vector<1024xf32>
      %reduce_sum3A_223 = vector.multi_reduction <add>, %mul3A_221, %reduce_sum3A_222 [1] : vector<1024x192xf32> to vector<1024xf32>
      %broadcast_in_dim3A_224 = vector.shape_cast %reduce_sum3A_223 : vector<1024xf32> to vector<1x1024xf32>
      %swap3A_225 = arith.constant 2 : index
      %swap3A_226 = arith.constant 0 : index
      %swap3A_227 = arith.constant 0 : index
      %swap3A_228 = vector.load %arg5[%swap3A_225, %swap3A_226, %swap3A_227] : memref<4x1x1024xf32, #tpu.memory_space<vmem>>, vector<1x1x1024xf32>
      %swap3A_229 = vector.shape_cast %swap3A_228 : vector<1x1x1024xf32> to vector<1x1024xf32>
      %swap3A_230 = vector.shape_cast %broadcast_in_dim3A_224 : vector<1x1024xf32> to vector<1x1x1024xf32>
      tpu.vector_store %arg5[%swap3A_225, %swap3A_226, %swap3A_227], %swap3A_230 {strides = array<i32>} : memref<4x1x1024xf32, #tpu.memory_space<vmem>>, vector<1x1x1024xf32>,
      %get3A_231 = arith.constant 3 : index
      %get3A_232 = arith.constant 0 : index
      %get3A_233 = arith.constant 0 : index
      %get3A_234 = vector.load %arg2[%get3A_231, %get3A_232, %get3A_233] : memref<4x1024x192xf32, #tpu.memory_space<vmem>>, vector<1x1024x192xf32>
      %get3A_235 = vector.shape_cast %get3A_234 : vector<1x1024x192xf32> to vector<1024x192xf32>
      %mul3A_236 = arith.mulf %get3A_235, %get3A_235 : vector<1024x192xf32>
      %reduce_sum3A_237 = arith.constant dense<0.000000e+00> : vector<1024xf32>
      %reduce_sum3A_238 = vector.multi_reduction <add>, %mul3A_236, %reduce_sum3A_237 [1] : vector<1024x192xf32> to vector<1024xf32>
      %broadcast_in_dim3A_239 = vector.shape_cast %reduce_sum3A_238 : vector<1024xf32> to vector<1x1024xf32>
      %swap3A_240 = arith.constant 3 : index
      %swap3A_241 = arith.constant 0 : index
      %swap3A_242 = arith.constant 0 : index
      %swap3A_243 = vector.load %arg5[%swap3A_240, %swap3A_241, %swap3A_242] : memref<4x1x1024xf32, #tpu.memory_space<vmem>>, vector<1x1x1024xf32>
      %swap3A_244 = vector.shape_cast %swap3A_243 : vector<1x1x1024xf32> to vector<1x1024xf32>
      %swap3A_245 = vector.shape_cast %broadcast_in_dim3A_239 : vector<1x1024xf32> to vector<1x1x1024xf32>
      tpu.vector_store %arg5[%swap3A_240, %swap3A_241, %swap3A_242], %swap3A_245 {strides = array<i32>} : memref<4x1x1024xf32, #tpu.memory_space<vmem>>, vector<1x1x1024xf32>,
    } else {
    }
    %get3A = arith.constant 0 : index
    %get3A_2 = arith.constant 0 : index
    %get3A_3 = vector.load %arg1[%get3A, %get3A_2] : memref<512x768xf32, #tpu.memory_space<vmem>>, vector<512x768xf32>
    %iota3A = tpu.iota {dimensions = array<i32: 1>} : vector<1x1024xi32>
    %slice3A = vector.extract_strided_slice %get3A_3 {offsets = [0, 0], sizes = [512, 192], strides = [1, 1]} : vector<512x768xf32> to vector<512x192xf32>
    %get3A_4 = arith.constant 0 : index
    %get3A_5 = arith.constant 0 : index
    %get3A_6 = arith.constant 0 : index
    %get3A_7 = vector.load %arg2[%get3A_4, %get3A_5, %get3A_6] : memref<4x1024x192xf32, #tpu.memory_space<vmem>>, vector<1x1024x192xf32>
    %get3A_8 = vector.shape_cast %get3A_7 : vector<1x1024x192xf32> to vector<1024x192xf32>
    %dot_general3A = arith.constant dense<0.000000e+00> : vector<512x1024xf32>
    %dot_general3A_9 = tpu.matmul %slice3A, %get3A_8, %dot_general3A {dimension_numbers = #tpu.dot_dimension_numbers<[1], [1], [0], [0], [0, 0, 1, 0], [], []>, transpose_lhs_hint = false} : vector<512x192xf32>, vector<1024x192xf32>, vector<512x1024xf32> -> vector<512x1024xf32>
    %mul3A = arith.mulf %slice3A, %slice3A : vector<512x192xf32>
    %reduce_sum3A = arith.constant dense<0.000000e+00> : vector<512xf32>
    %reduce_sum3A_10 = vector.multi_reduction <add>, %mul3A, %reduce_sum3A [1] : vector<512x192xf32> to vector<512xf32>
    %broadcast_in_dim3A = vector.shape_cast %reduce_sum3A_10 : vector<512xf32> to vector<512x1xf32>
    %get3A_11 = arith.constant 0 : index
    %get3A_12 = arith.constant 0 : index
    %get3A_13 = arith.constant 0 : index
    %get3A_14 = vector.load %arg5[%get3A_11, %get3A_12, %get3A_13] : memref<4x1x1024xf32, #tpu.memory_space<vmem>>, vector<1x1x1024xf32>
    %get3A_15 = vector.shape_cast %get3A_14 : vector<1x1x1024xf32> to vector<1x1024xf32>
    %add3A = vector.broadcast %broadcast_in_dim3A : vector<512x1xf32> to vector<512x1024xf32>
    %add3A_16 = vector.broadcast %get3A_15 : vector<1x1024xf32> to vector<512x1024xf32>
    %add3A_17 = arith.addf %add3A, %add3A_16 : vector<512x1024xf32>
    %mul3A_18 = arith.constant 2.000000e+00 : f32
    %mul3A_19 = vector.broadcast %mul3A_18 : f32 to vector<512x1024xf32>
    %mul3A_20 = arith.mulf %mul3A_19, %dot_general3A_9 : vector<512x1024xf32>
    %sub3A = arith.subf %add3A_17, %mul3A_20 : vector<512x1024xf32>
    %reduce_min3A = arith.constant dense<0x7F800000> : vector<512xf32>
    %reduce_min3A_21 = vector.multi_reduction <minimumf>, %sub3A, %reduce_min3A [1] : vector<512x1024xf32> to vector<512xf32>
    %broadcast_in_dim3A_22 = vector.shape_cast %reduce_min3A_21 : vector<512xf32> to vector<512x1xf32>
    %eq3A_23 = vector.broadcast %broadcast_in_dim3A_22 : vector<512x1xf32> to vector<512x1024xf32>
    %eq3A_24 = arith.cmpf oeq, %sub3A, %eq3A_23 : vector<512x1024xf32>
    %jit3A = arith.constant 1024 : i32
    %broadcast_in_dim3A_25 = vector.shape_cast %iota3A : vector<1x1024xi32> to vector<1x1024xi32>
    %broadcast_in_dim3A_26 = vector.broadcast %broadcast_in_dim3A_25 : vector<1x1024xi32> to vector<512x1024xi32>
    %broadcast_in_dim3A_27 = vector.broadcast %jit3A : i32 to vector<512x1024xi32>
    %select_n3A = arith.select %eq3A_24, %broadcast_in_dim3A_26, %broadcast_in_dim3A_27 : vector<512x1024xi1>, vector<512x1024xi32>
    %reduce_min3A_28 = arith.constant dense<2147483647> : vector<512xi32>
    %reduce_min3A_29 = vector.multi_reduction <minsi>, %select_n3A, %reduce_min3A_28 [1] : vector<512x1024xi32> to vector<512xi32>
    %swap3A = arith.constant 0 : index
    %swap3A_30 = arith.constant 0 : index
    %swap3A_31 = vector.load %arg3[%swap3A, %swap3A_30] : memref<4x512xi32, #tpu.memory_space<vmem>>, vector<1x512xi32>
    %swap3A_32 = vector.shape_cast %swap3A_31 : vector<1x512xi32> to vector<512xi32>
    %swap3A_33 = vector.shape_cast %reduce_min3A_29 : vector<512xi32> to vector<1x512xi32>
    tpu.vector_store %arg3[%swap3A, %swap3A_30], %swap3A_33 {strides = array<i32>} : memref<4x512xi32, #tpu.memory_space<vmem>>, vector<1x512xi32>,
    %reduce_sum3A_34 = vector.shape_cast %broadcast_in_dim3A_22 : vector<512x1xf32> to vector<1x512x1xf32>
    %reduce_sum3A_35 = arith.constant dense<0.000000e+00> : vector<1xf32>
    %reduce_sum3A_36 = vector.multi_reduction <add>, %reduce_sum3A_34, %reduce_sum3A_35 [1, 2] : vector<1x512x1xf32> to vector<1xf32>
    %reduce_sum3A_37 = vector.shape_cast %reduce_sum3A_36 : vector<1xf32> to vector<1x1x1xf32>
    %reduce_sum3A_38 = vector.extract %reduce_sum3A_37[0, 0, 0] : f32 from vector<1x1x1xf32>
    %add3A_39 = arith.constant 0.000000e+00 : f32
    %add3A_40 = arith.addf %add3A_39, %reduce_sum3A_38 : f32
    %slice3A_41 = vector.extract_strided_slice %get3A_3 {offsets = [0, 192], sizes = [512, 192], strides = [1, 1]} : vector<512x768xf32> to vector<512x192xf32>
    %get3A_42 = arith.constant 1 : index
    %get3A_43 = arith.constant 0 : index
    %get3A_44 = arith.constant 0 : index
    %get3A_45 = vector.load %arg2[%get3A_42, %get3A_43, %get3A_44] : memref<4x1024x192xf32, #tpu.memory_space<vmem>>, vector<1x1024x192xf32>
    %get3A_46 = vector.shape_cast %get3A_45 : vector<1x1024x192xf32> to vector<1024x192xf32>
    %dot_general3A_47 = arith.constant dense<0.000000e+00> : vector<512x1024xf32>
    %dot_general3A_48 = tpu.matmul %slice3A_41, %get3A_46, %dot_general3A_47 {dimension_numbers = #tpu.dot_dimension_numbers<[1], [1], [0], [0], [0, 0, 1, 0], [], []>, transpose_lhs_hint = false} : vector<512x192xf32>, vector<1024x192xf32>, vector<512x1024xf32> -> vector<512x1024xf32>
    %mul3A_49 = arith.mulf %slice3A_41, %slice3A_41 : vector<512x192xf32>
    %reduce_sum3A_50 = arith.constant dense<0.000000e+00> : vector<512xf32>
    %reduce_sum3A_51 = vector.multi_reduction <add>, %mul3A_49, %reduce_sum3A_50 [1] : vector<512x192xf32> to vector<512xf32>
    %broadcast_in_dim3A_52 = vector.shape_cast %reduce_sum3A_51 : vector<512xf32> to vector<512x1xf32>
    %get3A_53 = arith.constant 1 : index
    %get3A_54 = arith.constant 0 : index
    %get3A_55 = arith.constant 0 : index
    %get3A_56 = vector.load %arg5[%get3A_53, %get3A_54, %get3A_55] : memref<4x1x1024xf32, #tpu.memory_space<vmem>>, vector<1x1x1024xf32>
    %get3A_57 = vector.shape_cast %get3A_56 : vector<1x1x1024xf32> to vector<1x1024xf32>
    %add3A_58 = vector.broadcast %broadcast_in_dim3A_52 : vector<512x1xf32> to vector<512x1024xf32>
    %add3A_59 = vector.broadcast %get3A_57 : vector<1x1024xf32> to vector<512x1024xf32>
    %add3A_60 = arith.addf %add3A_58, %add3A_59 : vector<512x1024xf32>
    %mul3A_61 = arith.constant 2.000000e+00 : f32
    %mul3A_62 = vector.broadcast %mul3A_61 : f32 to vector<512x1024xf32>
    %mul3A_63 = arith.mulf %mul3A_62, %dot_general3A_48 : vector<512x1024xf32>
    %sub3A_64 = arith.subf %add3A_60, %mul3A_63 : vector<512x1024xf32>
    %reduce_min3A_65 = arith.constant dense<0x7F800000> : vector<512xf32>
    %reduce_min3A_66 = vector.multi_reduction <minimumf>, %sub3A_64, %reduce_min3A_65 [1] : vector<512x1024xf32> to vector<512xf32>
    %broadcast_in_dim3A_67 = vector.shape_cast %reduce_min3A_66 : vector<512xf32> to vector<512x1xf32>
    %eq3A_68 = vector.broadcast %broadcast_in_dim3A_67 : vector<512x1xf32> to vector<512x1024xf32>
    %eq3A_69 = arith.cmpf oeq, %sub3A_64, %eq3A_68 : vector<512x1024xf32>
    %jit3A_70 = arith.constant 1024 : i32
    %broadcast_in_dim3A_71 = vector.shape_cast %iota3A : vector<1x1024xi32> to vector<1x1024xi32>
    %broadcast_in_dim3A_72 = vector.broadcast %broadcast_in_dim3A_71 : vector<1x1024xi32> to vector<512x1024xi32>
    %broadcast_in_dim3A_73 = vector.broadcast %jit3A_70 : i32 to vector<512x1024xi32>
    %select_n3A_74 = arith.select %eq3A_69, %broadcast_in_dim3A_72, %broadcast_in_dim3A_73 : vector<512x1024xi1>, vector<512x1024xi32>
    %reduce_min3A_75 = arith.constant dense<2147483647> : vector<512xi32>
    %reduce_min3A_76 = vector.multi_reduction <minsi>, %select_n3A_74, %reduce_min3A_75 [1] : vector<512x1024xi32> to vector<512xi32>
    %swap3A_77 = arith.constant 1 : index
    %swap3A_78 = arith.constant 0 : index
    %swap3A_79 = vector.load %arg3[%swap3A_77, %swap3A_78] : memref<4x512xi32, #tpu.memory_space<vmem>>, vector<1x512xi32>
    %swap3A_80 = vector.shape_cast %swap3A_79 : vector<1x512xi32> to vector<512xi32>
    %swap3A_81 = vector.shape_cast %reduce_min3A_76 : vector<512xi32> to vector<1x512xi32>
    tpu.vector_store %arg3[%swap3A_77, %swap3A_78], %swap3A_81 {strides = array<i32>} : memref<4x512xi32, #tpu.memory_space<vmem>>, vector<1x512xi32>,
    %reduce_sum3A_82 = vector.shape_cast %broadcast_in_dim3A_67 : vector<512x1xf32> to vector<1x512x1xf32>
    %reduce_sum3A_83 = arith.constant dense<0.000000e+00> : vector<1xf32>
    %reduce_sum3A_84 = vector.multi_reduction <add>, %reduce_sum3A_82, %reduce_sum3A_83 [1, 2] : vector<1x512x1xf32> to vector<1xf32>
    %reduce_sum3A_85 = vector.shape_cast %reduce_sum3A_84 : vector<1xf32> to vector<1x1x1xf32>
    %reduce_sum3A_86 = vector.extract %reduce_sum3A_85[0, 0, 0] : f32 from vector<1x1x1xf32>
    %add3A_87 = arith.addf %add3A_40, %reduce_sum3A_86 : f32
    %slice3A_88 = vector.extract_strided_slice %get3A_3 {offsets = [0, 384], sizes = [512, 192], strides = [1, 1]} : vector<512x768xf32> to vector<512x192xf32>
    %get3A_89 = arith.constant 2 : index
    %get3A_90 = arith.constant 0 : index
    %get3A_91 = arith.constant 0 : index
    %get3A_92 = vector.load %arg2[%get3A_89, %get3A_90, %get3A_91] : memref<4x1024x192xf32, #tpu.memory_space<vmem>>, vector<1x1024x192xf32>
    %get3A_93 = vector.shape_cast %get3A_92 : vector<1x1024x192xf32> to vector<1024x192xf32>
    %dot_general3A_94 = arith.constant dense<0.000000e+00> : vector<512x1024xf32>
    %dot_general3A_95 = tpu.matmul %slice3A_88, %get3A_93, %dot_general3A_94 {dimension_numbers = #tpu.dot_dimension_numbers<[1], [1], [0], [0], [0, 0, 1, 0], [], []>, transpose_lhs_hint = false} : vector<512x192xf32>, vector<1024x192xf32>, vector<512x1024xf32> -> vector<512x1024xf32>
    %mul3A_96 = arith.mulf %slice3A_88, %slice3A_88 : vector<512x192xf32>
    %reduce_sum3A_97 = arith.constant dense<0.000000e+00> : vector<512xf32>
    %reduce_sum3A_98 = vector.multi_reduction <add>, %mul3A_96, %reduce_sum3A_97 [1] : vector<512x192xf32> to vector<512xf32>
    %broadcast_in_dim3A_99 = vector.shape_cast %reduce_sum3A_98 : vector<512xf32> to vector<512x1xf32>
    %get3A_100 = arith.constant 2 : index
    %get3A_101 = arith.constant 0 : index
    %get3A_102 = arith.constant 0 : index
    %get3A_103 = vector.load %arg5[%get3A_100, %get3A_101, %get3A_102] : memref<4x1x1024xf32, #tpu.memory_space<vmem>>, vector<1x1x1024xf32>
    %get3A_104 = vector.shape_cast %get3A_103 : vector<1x1x1024xf32> to vector<1x1024xf32>
    %add3A_105 = vector.broadcast %broadcast_in_dim3A_99 : vector<512x1xf32> to vector<512x1024xf32>
    %add3A_106 = vector.broadcast %get3A_104 : vector<1x1024xf32> to vector<512x1024xf32>
    %add3A_107 = arith.addf %add3A_105, %add3A_106 : vector<512x1024xf32>
    %mul3A_108 = arith.constant 2.000000e+00 : f32
    %mul3A_109 = vector.broadcast %mul3A_108 : f32 to vector<512x1024xf32>
    %mul3A_110 = arith.mulf %mul3A_109, %dot_general3A_95 : vector<512x1024xf32>
    %sub3A_111 = arith.subf %add3A_107, %mul3A_110 : vector<512x1024xf32>
    %reduce_min3A_112 = arith.constant dense<0x7F800000> : vector<512xf32>
    %reduce_min3A_113 = vector.multi_reduction <minimumf>, %sub3A_111, %reduce_min3A_112 [1] : vector<512x1024xf32> to vector<512xf32>
    %broadcast_in_dim3A_114 = vector.shape_cast %reduce_min3A_113 : vector<512xf32> to vector<512x1xf32>
    %eq3A_115 = vector.broadcast %broadcast_in_dim3A_114 : vector<512x1xf32> to vector<512x1024xf32>
    %eq3A_116 = arith.cmpf oeq, %sub3A_111, %eq3A_115 : vector<512x1024xf32>
    %jit3A_117 = arith.constant 1024 : i32
    %broadcast_in_dim3A_118 = vector.shape_cast %iota3A : vector<1x1024xi32> to vector<1x1024xi32>
    %broadcast_in_dim3A_119 = vector.broadcast %broadcast_in_dim3A_118 : vector<1x1024xi32> to vector<512x1024xi32>
    %broadcast_in_dim3A_120 = vector.broadcast %jit3A_117 : i32 to vector<512x1024xi32>
    %select_n3A_121 = arith.select %eq3A_116, %broadcast_in_dim3A_119, %broadcast_in_dim3A_120 : vector<512x1024xi1>, vector<512x1024xi32>
    %reduce_min3A_122 = arith.constant dense<2147483647> : vector<512xi32>
    %reduce_min3A_123 = vector.multi_reduction <minsi>, %select_n3A_121, %reduce_min3A_122 [1] : vector<512x1024xi32> to vector<512xi32>
    %swap3A_124 = arith.constant 2 : index
    %swap3A_125 = arith.constant 0 : index
    %swap3A_126 = vector.load %arg3[%swap3A_124, %swap3A_125] : memref<4x512xi32, #tpu.memory_space<vmem>>, vector<1x512xi32>
    %swap3A_127 = vector.shape_cast %swap3A_126 : vector<1x512xi32> to vector<512xi32>
    %swap3A_128 = vector.shape_cast %reduce_min3A_123 : vector<512xi32> to vector<1x512xi32>
    tpu.vector_store %arg3[%swap3A_124, %swap3A_125], %swap3A_128 {strides = array<i32>} : memref<4x512xi32, #tpu.memory_space<vmem>>, vector<1x512xi32>,
    %reduce_sum3A_129 = vector.shape_cast %broadcast_in_dim3A_114 : vector<512x1xf32> to vector<1x512x1xf32>
    %reduce_sum3A_130 = arith.constant dense<0.000000e+00> : vector<1xf32>
    %reduce_sum3A_131 = vector.multi_reduction <add>, %reduce_sum3A_129, %reduce_sum3A_130 [1, 2] : vector<1x512x1xf32> to vector<1xf32>
    %reduce_sum3A_132 = vector.shape_cast %reduce_sum3A_131 : vector<1xf32> to vector<1x1x1xf32>
    %reduce_sum3A_133 = vector.extract %reduce_sum3A_132[0, 0, 0] : f32 from vector<1x1x1xf32>
    %add3A_134 = arith.addf %add3A_87, %reduce_sum3A_133 : f32
    %slice3A_135 = vector.extract_strided_slice %get3A_3 {offsets = [0, 576], sizes = [512, 192], strides = [1, 1]} : vector<512x768xf32> to vector<512x192xf32>
    %get3A_136 = arith.constant 3 : index
    %get3A_137 = arith.constant 0 : index
    %get3A_138 = arith.constant 0 : index
    %get3A_139 = vector.load %arg2[%get3A_136, %get3A_137, %get3A_138] : memref<4x1024x192xf32, #tpu.memory_space<vmem>>, vector<1x1024x192xf32>
    %get3A_140 = vector.shape_cast %get3A_139 : vector<1x1024x192xf32> to vector<1024x192xf32>
    %dot_general3A_141 = arith.constant dense<0.000000e+00> : vector<512x1024xf32>
    %dot_general3A_142 = tpu.matmul %slice3A_135, %get3A_140, %dot_general3A_141 {dimension_numbers = #tpu.dot_dimension_numbers<[1], [1], [0], [0], [0, 0, 1, 0], [], []>, transpose_lhs_hint = false} : vector<512x192xf32>, vector<1024x192xf32>, vector<512x1024xf32> -> vector<512x1024xf32>
    %mul3A_143 = arith.mulf %slice3A_135, %slice3A_135 : vector<512x192xf32>
    %reduce_sum3A_144 = arith.constant dense<0.000000e+00> : vector<512xf32>
    %reduce_sum3A_145 = vector.multi_reduction <add>, %mul3A_143, %reduce_sum3A_144 [1] : vector<512x192xf32> to vector<512xf32>
    %broadcast_in_dim3A_146 = vector.shape_cast %reduce_sum3A_145 : vector<512xf32> to vector<512x1xf32>
    %get3A_147 = arith.constant 3 : index
    %get3A_148 = arith.constant 0 : index
    %get3A_149 = arith.constant 0 : index
    %get3A_150 = vector.load %arg5[%get3A_147, %get3A_148, %get3A_149] : memref<4x1x1024xf32, #tpu.memory_space<vmem>>, vector<1x1x1024xf32>
    %get3A_151 = vector.shape_cast %get3A_150 : vector<1x1x1024xf32> to vector<1x1024xf32>
    %add3A_152 = vector.broadcast %broadcast_in_dim3A_146 : vector<512x1xf32> to vector<512x1024xf32>
    %add3A_153 = vector.broadcast %get3A_151 : vector<1x1024xf32> to vector<512x1024xf32>
    %add3A_154 = arith.addf %add3A_152, %add3A_153 : vector<512x1024xf32>
    %mul3A_155 = arith.constant 2.000000e+00 : f32
    %mul3A_156 = vector.broadcast %mul3A_155 : f32 to vector<512x1024xf32>
    %mul3A_157 = arith.mulf %mul3A_156, %dot_general3A_142 : vector<512x1024xf32>
    %sub3A_158 = arith.subf %add3A_154, %mul3A_157 : vector<512x1024xf32>
    %reduce_min3A_159 = arith.constant dense<0x7F800000> : vector<512xf32>
    %reduce_min3A_160 = vector.multi_reduction <minimumf>, %sub3A_158, %reduce_min3A_159 [1] : vector<512x1024xf32> to vector<512xf32>
    %broadcast_in_dim3A_161 = vector.shape_cast %reduce_min3A_160 : vector<512xf32> to vector<512x1xf32>
    %eq3A_162 = vector.broadcast %broadcast_in_dim3A_161 : vector<512x1xf32> to vector<512x1024xf32>
    %eq3A_163 = arith.cmpf oeq, %sub3A_158, %eq3A_162 : vector<512x1024xf32>
    %jit3A_164 = arith.constant 1024 : i32
    %broadcast_in_dim3A_165 = vector.shape_cast %iota3A : vector<1x1024xi32> to vector<1x1024xi32>
    %broadcast_in_dim3A_166 = vector.broadcast %broadcast_in_dim3A_165 : vector<1x1024xi32> to vector<512x1024xi32>
    %broadcast_in_dim3A_167 = vector.broadcast %jit3A_164 : i32 to vector<512x1024xi32>
    %select_n3A_168 = arith.select %eq3A_163, %broadcast_in_dim3A_166, %broadcast_in_dim3A_167 : vector<512x1024xi1>, vector<512x1024xi32>
    %reduce_min3A_169 = arith.constant dense<2147483647> : vector<512xi32>
    %reduce_min3A_170 = vector.multi_reduction <minsi>, %select_n3A_168, %reduce_min3A_169 [1] : vector<512x1024xi32> to vector<512xi32>
    %swap3A_171 = arith.constant 3 : index
    %swap3A_172 = arith.constant 0 : index
    %swap3A_173 = vector.load %arg3[%swap3A_171, %swap3A_172] : memref<4x512xi32, #tpu.memory_space<vmem>>, vector<1x512xi32>
    %swap3A_174 = vector.shape_cast %swap3A_173 : vector<1x512xi32> to vector<512xi32>
    %swap3A_175 = vector.shape_cast %reduce_min3A_170 : vector<512xi32> to vector<1x512xi32>
    tpu.vector_store %arg3[%swap3A_171, %swap3A_172], %swap3A_175 {strides = array<i32>} : memref<4x512xi32, #tpu.memory_space<vmem>>, vector<1x512xi32>,
    %reduce_sum3A_176 = vector.shape_cast %broadcast_in_dim3A_161 : vector<512x1xf32> to vector<1x512x1xf32>
    %reduce_sum3A_177 = arith.constant dense<0.000000e+00> : vector<1xf32>
    %reduce_sum3A_178 = vector.multi_reduction <add>, %reduce_sum3A_176, %reduce_sum3A_177 [1, 2] : vector<1x512x1xf32> to vector<1xf32>
    %reduce_sum3A_179 = vector.shape_cast %reduce_sum3A_178 : vector<1xf32> to vector<1x1x1xf32>
    %reduce_sum3A_180 = vector.extract %reduce_sum3A_179[0, 0, 0] : f32 from vector<1x1x1xf32>
    %add3A_181 = arith.addf %add3A_134, %reduce_sum3A_180 : f32
    %reshape3A = vector.broadcast %add3A_181 : f32 to vector<1x1x1xf32>
    %swap3A_182 = arith.constant 0 : index
    %swap3A_183 = arith.constant 0 : index
    %swap3A_184 = arith.constant 0 : index
    %swap3A_185 = vector.load %arg4[%swap3A_182, %swap3A_183, %swap3A_184] : memref<1x1x1xf32, #tpu.memory_space<vmem>>, vector<1x1x1xf32>
    tpu.vector_store %arg4[%swap3A_182, %swap3A_183, %swap3A_184], %reshape3A {strides = array<i32>} : memref<1x1x1xf32, #tpu.memory_space<vmem>>, vector<1x1x1xf32>,
    return
  }
  func.func @transform_0(%arg0: i32) -> (i32, i32) {
    %c0_i32 = arith.constant 0 : i32
    %c0_i32_0 = arith.constant 0 : i32
    return %arg0, %c0_i32 : i32, i32
  }
  func.func @transform_1(%arg0: i32) -> (i32, i32, i32) {
    %c0_i32 = arith.constant 0 : i32
    %c0_i32_0 = arith.constant 0 : i32
    %c0_i32_1 = arith.constant 0 : i32
    %c0_i32_2 = arith.constant 0 : i32
    return %c0_i32, %c0_i32_0, %c0_i32_1 : i32, i32, i32
  }
  func.func @transform_2(%arg0: i32) -> (i32, i32) {
    %c0_i32 = arith.constant 0 : i32
    %c0_i32_0 = arith.constant 0 : i32
    return %c0_i32, %arg0 : i32, i32
  }
  func.func @transform_3(%arg0: i32) -> (i32, i32, i32) {
    %c0_i32 = arith.constant 0 : i32
    %c0_i32_0 = arith.constant 0 : i32
    %c0_i32_1 = arith.constant 0 : i32
    return %arg0, %c0_i32, %c0_i32_0 : i32, i32, i32
  }
}

</mosaic_0001>

<sc_bundles>
// kernel: kernel.4.cloned.1.call-start
scs
__scs_entry_jumppad:
0x0: {  	(pc) =	sbr.rel $0x88, $3  }
0x1: {  	(tag) =	ssettag $0x0;
	lr =	simm.s32 $0x1  }
0x2: {  	[smem:$0x3F9F] =	sst lr;
	_ =	strace $0xD0000000  }
0x3: {  	_ = 	snop  }
0x4: {  	_ = 	snop  }
0x5: {  	_ = 	snop  }
0x6: {  	_ = 	snop  }
0x7: {  	_ = 	snop  }
__scs_overlays_trampoline_lowered:
0x8: {  	[smem:$0x3FAE] =	sst s0  }
0x9: {  	[smem:$0x3FAF] =	sst s1  }
0xa: {  	[smem:$0x3FB0] =	sst s2  }
0xb: {  	[smem:$0x3FB1] =	sst s3  }
0xc: {  	[smem:$0x3FB2] =	sst s4  }
0xd: {  	[smem:$0x3FB3] =	sst s5  }
0xe: {  	[smem:$0x3FB4] =	sst s6  }
0xf: {  	[smem:$0x3FB5] =	sst s7  }
0x10: {  	[smem:$0x3FB6] =	sst s8  }
0x11: {  	[smem:$0x3FB7] =	sst s9;
	s0 =	simm.s32 @!p0 $0x0  }
0x12: {  	s1 =	sld [smem:$0x3F9D];
	s0 =	simm.s32 @p0 $0x1  }
0x13: {  	[smem:$0x3FB8] =	sst s0;
	s0 =	simm.s32 @!p1 $0x0  }
0x14: {  	s2 =	sld [smem:$0x3F9C];
	s0 =	simm.s32 @p1 $0x1  }
0x15: {  	[smem:$0x3FB9] =	sst s0;
	s0 =	simm.s32 @!p2 $0x0  }
0x16: {  	s3 =	sld [smem:$0x3FDB];
	s0 =	simm.s32 @p2 $0x1  }
0x17: {  	s4 =	simm.s32 $0x1BF5;
	[smem:$0x3FBB] =	sst s0  }
0x18: {  	s0 =	sld [smem:$0x3F9E];
	_ =	swait.ge [sflag:s4], $0x0  }
0x19: {  	s7 =	sld [smem:$0x3F9F]  }
0x1a: {  	s8 =	sadd.s32 $0xFFFFE003, lr  }
0x1b: {  	s9 =	sadd.s32 $0xFFFFFEF7, lr;
	s5 =	simm.s32 $0xFFFFFFFF;
	p2 =	slt.u32 s8, $0xFFFFF086  }
0x1c: {  	p1 =	slt.u32 s9, $0xF7A;
	s5 =	simm.s32 @!p2 $0x0  }
0x1d: {  	s5 =	simm.s32 @p1 $0x1;
	p0 =	seq.s32 s7, s2  }
0x1e: {  	s7 =	smul.u32 @!p0 $0xF7A, s2;
	p2 =	seq.s32 @!p0 s5, $0x0  }
0x1f: {  	s9 =	smul.u32 $0xF7A, s1;
	s8 =	simm.s32 @!p0 $0x1BF5;
	p2 =	por !p2, p0  }
0x20: {  	[sflag:s8] =	ssyncset.s32 @!p0 $0xFFFFF086;
	s6 =	sadd.s32 @!p0 s3, s7;
	s7 =	simm.s32 @!p0 $0x108  }
0x21: {  	s3 =	sadd.s32 s3, s9;
	s6 =	sadd.s32 @!p0 $0x88, s6;
	s7 =	simm.s32 @p2 $0x1082  }
0x22: {  	[simem:s7], [sflag:s8] =	dma.local @!p0 [hbm:s6], $0xF7A  }
0x23: {  	s9 =	sor.u32 $0xD0000000, s2;
	s6 =	simm.s32 $0x108;
	_ =	swait.ge @!p0 [sflag:s8], $0x0  }
0x24: {  	s3 =	sadd.s32 $0x88, s3;
	s6 =	simm.s32 @!p1 $0x1082;
	[sflag:s4] =	ssyncset.s32 $0xFFFFF086  }
0x25: {  	[simem:s6], [sflag:s4] =	dma.local [hbm:s3], $0xF7A  }
0x26: {  	[smem:$0x3F9F] =	sst s1;
	(tag) =	ssettag s2;
	_ =	strace s9  }
0x27: {  	s1 =	sld [smem:$0x3FAF]  }
0x28: {  	s2 =	sld [smem:$0x3FB0]  }
0x29: {  	s4 =	sld [smem:$0x3FB2]  }
0x2a: {  	p0 =	seq.s32 s5, $0x0;
	s5 =	sld [smem:$0x3FB3]  }
0x2b: {  	s6 =	sld [smem:$0x3FB4]  }
0x2c: {  	s7 =	sld [smem:$0x3FB5]  }
0x2d: {  	s3 =	simm.s32 $0x108;
	s8 =	sld [smem:$0x3FB6]  }
0x2e: {  	s3 =	simm.s32 @!p0 $0x1082;
	s9 =	sld [smem:$0x3FB7]  }
0x2f: {  	lr =	sadd.s32 s0, s3;
	s0 =	sld [smem:$0x3FAE]  }
0x30: {  	s3 =	sld [smem:$0x3FB1]  }
0x31: {  	[smem:$0x3FBA] =	sst s10  }
0x32: {  	s10 =	sld [smem:$0x3FB8];
	_ =	sdelay $0x3  }
0x33: {  	p0 =	seq.s32 s10, $0x1;
	s10 =	sld [smem:$0x3FBA];
	_ =	sdelay $0x3  }
0x34: {  	[smem:$0x3FBA] =	sst s10  }
0x35: {  	s10 =	sld [smem:$0x3FB9];
	_ =	sdelay $0x3  }
0x36: {  	p1 =	seq.s32 s10, $0x1;
	s10 =	sld [smem:$0x3FBA];
	_ =	sdelay $0x3  }
0x37: {  	[smem:$0x3FBA] =	sst s10  }
0x38: {  	s10 =	sld [smem:$0x3FBB]  }
0x39: {  	_ = 	snop;
	(pc) =	sbr.ind lr, $3  }
0x3a: {  	_ = 	snop  }
0x3b: {  	_ = 	snop  }
0x3c: {  	p2 =	seq.s32 s10, $0x1;
	s10 =	sld [smem:$0x3FBA]  }
0x3d: {  	_ =	shalt  }
0x3e: {  	_ =	shalt  }
0x3f: {  	_ =	shalt  }
0x40: {  	_ =	shalt  }
0x41: {  	_ =	shalt  }
0x42: {  	_ =	shalt  }
0x43: {  	_ =	shalt  }
0x44: {  	_ =	shalt  }
0x45: {  	_ =	shalt  }
0x46: {  	_ =	shalt  }
0x47: {  	_ =	shalt  }
0x48: {  	_ =	shalt  }
0x49: {  	_ =	shalt  }
0x4a: {  	_ =	shalt  }
0x4b: {  	_ =	shalt  }
0x4c: {  	_ =	shalt  }
0x4d: {  	_ =	shalt  }
0x4e: {  	_ =	shalt  }
0x4f: {  	_ =	shalt  }
0x50: {  	_ =	shalt  }
0x51: {  	_ =	shalt  }
0x52: {  	_ =	shalt  }
0x53: {  	_ =	shalt  }
0x54: {  	_ =	shalt  }
0x55: {  	_ =	shalt  }
0x56: {  	_ =	shalt  }
0x57: {  	_ =	shalt  }
0x58: {  	_ =	shalt  }
0x59: {  	_ =	shalt  }
0x5a: {  	_ =	shalt  }
0x5b: {  	_ =	shalt  }
0x5c: {  	_ =	shalt  }
0x5d: {  	_ =	shalt  }
0x5e: {  	_ =	shalt  }
0x5f: {  	_ =	shalt  }
0x60: {  	_ =	shalt  }
0x61: {  	_ =	shalt  }
0x62: {  	_ =	shalt  }
0x63: {  	_ =	shalt  }
0x64: {  	_ =	shalt  }
0x65: {  	_ =	shalt  }
0x66: {  	_ =	shalt  }
0x67: {  	_ =	shalt  }
0x68: {  	_ =	shalt  }
0x69: {  	_ =	shalt  }
0x6a: {  	_ =	shalt  }
0x6b: {  	_ =	shalt  }
0x6c: {  	_ =	shalt  }
0x6d: {  	_ =	shalt  }
0x6e: {  	_ =	shalt  }
0x6f: {  	_ =	shalt  }
0x70: {  	_ =	shalt  }
0x71: {  	_ =	shalt  }
0x72: {  	_ =	shalt  }
0x73: {  	_ =	shalt  }
0x74: {  	_ =	shalt  }
0x75: {  	_ =	shalt  }
0x76: {  	_ =	shalt  }
0x77: {  	_ =	shalt  }
0x78: {  	_ =	shalt  }
0x79: {  	_ =	shalt  }
0x7a: {  	_ =	shalt  }
0x7b: {  	_ =	shalt  }
0x7c: {  	_ =	shalt  }
0x7d: {  	_ =	shalt  }
0x7e: {  	_ =	shalt  }
0x7f: {  	_ =	shalt  }
0x80: {  	_ =	shalt  }
0x81: {  	_ =	shalt  }
0x82: {  	_ =	shalt  }
0x83: {  	_ =	shalt  }
0x84: {  	_ =	shalt  }
0x85: {  	_ =	shalt  }
0x86: {  	_ =	shalt  }
0x87: {  	_ =	shalt  }
.Lfunc_end0:
.L_simem_size_0:
called_computation_lowered:
.L_overlay_start_0:
0x88: {  	s2 =	sld [smem:$0x3FD9]  }
0x89: {  	s3 =	sld [smem:$0x3FFE];
	_ =	sdelay $0x1  }
0x8a: {  	s1 =	srdreg.scid  }
0x8b: {  	s0 =	sand.u32 $0x1, s1  }
0x8c: {  	s14 =	sshll.u32 s0, $0xA;
	s2 =	sadd.s32 s3, s2  }
0x8d: {  	s2 =	sadd.s32 s2, s14  }
0x8e: {  	[smem:$0x3FC6] =	sst s2  }
0x8f: {  	_ = 	snop  }
0x90: {  	s2 =	sld [smem:$0x3FD0];
	_ =	sdelay $0x2  }
0x91: {  	s15 =	simm.s32 $0xA;
	s4 =	simm.s32 $0x10  }
0x92: {  	[smem:s4], [sflag:s15] =	dma.local [hbm:s2], $0x1  }
0x93: {  	_ =	swait.eq [sflag:s15], $0x1  }
0x94: {  	[sflag:s15] =	ssyncset.done $0x0  }
0x95: {  	[sflag:s15] =	ssyncadd.s32 $0xFFFFFFFF  }
0x96: {  	s16 =	sld [smem:$0x11];
	(tm) =	ssettm $0x1  }
0x97: {  	s17 =	sld [smem:$0x3FFB];
	_ =	sdelay $0x3  }
0x98: {  	_ =	strace s17  }
0x99: {  	s3 =	sld [smem:$0x3FFC];
	_ =	sdelay $0x3  }
0x9a: {  	_ =	strace s3  }
0x9b: {  	s3 =	sld [smem:$0x3FFD];
	_ =	sdelay $0x3  }
0x9c: {  	_ =	strace s3  }
0x9d: {  	_ =	strace $0x8FFFFFFF  }
0x9e: {  	s18 =	sld [smem:$0x3FDB];
	_ =	sdelay $0x1  }
0x9f: {  	s19 =	simm.s32 $_scs_section_size  }
0xa0: {  	s5 =	simm.s32 $_size__tile_overlayer_lowered;
	s6 =	simm.s32 $_tile_overlayer_lowered  }
0xa1: {  	s22 =	simm.s32 $0x1BFF;
	s21 =	sshll.u32 s6, $0x1;
	s3 =	sadd.s32 s19, s18  }
0xa2: {  	s7 =	simm.s32 $0x0;
	s20 =	sshll.u32 s5, $0x1;
	s5 =	sadd.s32 s21, s3  }
0xa3: {  	[timem:s7], [sflag:s22] =	dma.local [hbm:s5], s20  }
0xa4: {  	_ =	swait.ge [sflag:s22], s20  }
0xa5: {  	s4 =	ssub.s32 $0x0, s20;
	[sflag:s22] =	ssyncset.done $0x0  }
0xa6: {  	[sflag:s22] =	ssyncadd.s32 s4;
	_ =	sdelay $0x1  }
0xa7: {  	s23 =	simm.s32 $0x1B8B  }
0xa8: {  	_ =	swait.ge [sflag:s23], $0x1  }
0xa9: {  	[sflag:s23] =	ssyncset.done $0x0  }
0xaa: {  	s25 =	simm.s32 $0x1B8E;
	s24 =	sld [smem:$0x3FFE];
	[sflag:s23] =	ssyncadd.s32 $0xFFFFFFFF  }
0xab: {  	s26 =	simm.s32 $execute0_lowered;
	[smem:$0x3FD2] =	sst s25  }
0xac: {  	s5 =	sshll.u32 s26, $0x1;
	_ =	strace $0x80000046;
	[dreg:$0x1] =	wrdreg $0xFFFFFFFF  }
0xad: {  	s28 =	simm.s32 $_size_execute0_lowered;
	s3 =	sadd.s32 s3, s5;
	[dreg:$0x0] =	wrdreg $0x0  }
0xae: {  	s5 =	sshll.u32 s28, $0x1;
	[dreg:$0x2] =	wrdreg s3  }
0xaf: {  	[dreg:$0x3] =	wrdreg s5  }
0xb0: {  	[dreg:$0x4] =	wrdreg $0xC0  }
0xb1: {  	_ =	task [dreg:s7], $0x5FFFF  }
0xb2: {  	[dreg:$0x1] =	wrdreg $0xFFFFFFFF  }
0xb3: {  	[dreg:$0x0] =	wrdreg $0x60  }
0xb4: {  	[dreg:$0x2] =	wrdreg s16  }
0xb5: {  	[dreg:$0x3] =	wrdreg s24  }
0xb6: {  	[dreg:$0x4] =	wrdreg $0x9  }
0xb7: {  	_ =	task.clear_ibuf [dreg:s7], $0x5FFFF;
	_ =	strace $0x90000046  }
0xb8: {  	s29 =	simm.s32 $0x9;
	_ =	strace $0x80000048  }
0xb9: {  	_ =	swait.ge [sflag:s29], $0x1  }
0xba: {  	[sflag:s29] =	ssyncadd.s32 $0xFFFFFFFF  }
0xbb: {  	_ =	strace $0x90000048  }
0xbc: {  	_ =	sfence  }
0xbd: {  	s30 =	sld [smem:$0x0];
	_ =	sdelay $0x2  }
0xbe: {  	s31 =	sshll.u32 s1, $0xD;
	s1 =	sshrl.u32 s1, $0x2  }
0xbf: {  	s3 =	sand.u32 $0x4000, s31;
	s1 =	sadd.s32 s1, s30  }
0xc0: {  	s0 =	sor.u32 s3, s0;
	s1 =	sshll.u32 s1, $0x11  }
0xc1: {  	s0 =	sor.u32 s1, s0  }
0xc2: {  	s0 =	sadd.s32 $0x8F2B, s0  }
0xc3: {  	[sflag:s0] =	ssyncadd.remote.s32 $0x1  }
0xc4: {  	_ =	sfence.sel $0xFFFF  }
0xc5: {  	[dreg:$0x0] =	wrdreg $0xFFFFFFFF;
	(pc) =	sbr.abs _section_cstart, $3  }
0xc6: {  	[dreg:$0x1] =	wrdreg $0xFFFFFFFF  }
0xc7: {  	_ =	task.clear_ibuf [dreg:s7], $0x2FFFF;
	_ =	strace $0x9FFFFFFF  }
0xc8: {  	(tm) =	ssettm $0x7FFFFFFF  }
0xc9: {  	_ =	shalt  }
tec
execute0_lowered:
.L_overlay_start_1:
0x0: {  	(tag) =	ssettag $0x1  }
0x1: {  	s3 =	stileid.u32  }
0x2: {  	s0 =	srdreg.scid;
	s2 =	sshll.u32 s3, $0x1  }
0x3: {  	s1 =	sand.u32 $0x1, s0;
	s14 =	sshrl.u32 s3, $0x2;
	s7 =	sand.u32 $0x6, s2  }
0x4: {  	s5 =	smul.u32 $0x2400, s14;
	s0 =	sor.u32 s1, s7  }
0x5: {  	s13 =	rddreg [dreg:$0x0];
	s8 =	smul.u32 $0x480, s0  }
0x6: {  	s4 =	rddreg [dreg:$0x1]  }
0x7: {  	s6 =	sadd.s32 $0x200, s4;
	s7 =	sadd.s32 $0x80, s8;
	s3 =	sadd.s32 s5, s8  }
0x8: {  	s2 =	simm.s32 $0x0;
	s5 =	sadd.s32 s5, s7;
	s3 =	sshrl.u32 s3, $0x3  }
0x9: {  	[smem:$0x7FF] =	sst s2;
	s5 =	sshrl.u32 s5, $0x3;
	s3 =	sadd.s32 s6, s3  }
0xa: {  	_ =	strace $0x80000047;
	s5 =	sadd.s32 s6, s5;
	[dreg:$0xd] =	wrdreg s3  }
0xb: {  	[tilespmem:s2], [sflag:$0x7] =	stream.linear.gather [hbm4b:s3+s2], $0x80, $0x38;
	[tilespmem:$0x12480] =	vst v63  }
0xc: {  	s9 =	sadd.s32 $0x20, s3;
	[dreg:$0x3] =	wrdreg s5  }
0xd: {  	s10 =	sadd.s32 $0x30, s3;
	[dreg:$0x4] =	wrdreg s9  }
0xe: {  	s0 =	smul.u32 $0xD8000, s0;
	s11 =	sadd.s32 $0x40, s3;
	[dreg:$0x5] =	wrdreg s10  }
0xf: {  	s8 =	smul.u32 $0xC0, s14;
	s12 =	sadd.s32 $0x50, s3;
	[dreg:$0x6] =	wrdreg s11  }
0x10: {  	s15 =	sadd.s32 $0x1400, s4;
	s16 =	sadd.s32 $0x60, s3;
	[dreg:$0x7] =	wrdreg s12  }
0x11: {  	s0 =	sor.u32 s8, s0;
	s17 =	sadd.s32 $0x70, s3;
	[dreg:$0x8] =	wrdreg s16  }
0x12: {  	s18 =	sadd.s32 $0x80, s3;
	s19 =	sshrl.u32 s0, $0x3;
	[dreg:$0x9] =	wrdreg s17  }
0x13: {  	[dreg:$0xa] =	wrdreg s18;
	s20 =	sadd.s32 s15, s19  }
0x14: {  	[dreg:$0xb] =	wrdreg s20  }
0x15: {  	s21 =	rddreg [dreg:$0x3]  }
0x16: {  	s4 =	simm.s32 $0x80;
	s22 =	rddreg [dreg:$0x4]  }
0x17: {  	[tilespmem:s4], [sflag:$0x7] =	stream.linear.gather [hbm4b:s21+s2], $0x80, $0x38;
	[tilespmem:$0x12480] =	vst v63  }
0x18: {  	s5 =	simm.s32 $0x100;
	s9 =	rddreg [dreg:$0x5]  }
0x19: {  	[tilespmem:s5], [sflag:$0x7] =	stream.linear.gather [hbm4b:s22+s2], $0x80, $0x38;
	[tilespmem:$0x12480] =	vst v63  }
0x1a: {  	s6 =	simm.s32 $0x180;
	s10 =	rddreg [dreg:$0x6]  }
0x1b: {  	[tilespmem:s6], [sflag:$0x7] =	stream.linear.gather [hbm4b:s9+s2], $0x80, $0x38;
	[tilespmem:$0x12480] =	vst v63  }
0x1c: {  	s23 =	smul.u32 $0x300, s7;
	s7 =	simm.s32 $0x200;
	s11 =	rddreg [dreg:$0x7]  }
0x1d: {  	[tilespmem:s7], [sflag:$0x7] =	stream.linear.gather [hbm4b:s10+s2], $0x80, $0x38;
	[tilespmem:$0x12480] =	vst v63  }
0x1e: {  	s24 =	rddreg [dreg:$0x8];
	s9 =	sor.u32 s8, s23;
	s8 =	simm.s32 $0x280  }
0x1f: {  	[tilespmem:s8], [sflag:$0x7] =	stream.linear.gather [hbm4b:s11+s2], $0x80, $0x38;
	[tilespmem:$0x12480] =	vst v63  }
0x20: {  	s12 =	rddreg [dreg:$0x9];
	s25 =	sshrl.u32 s9, $0x3;
	s9 =	simm.s32 $0x300  }
0x21: {  	[tilespmem:s9], [sflag:$0x7] =	stream.linear.gather [hbm4b:s24+s2], $0x80, $0x38;
	[tilespmem:$0x12480] =	vst v63  }
0x22: {  	s26 =	rddreg [dreg:$0xa];
	s10 =	simm.s32 $0x380;
	s11 =	sadd.s32 s15, s25  }
0x23: {  	[tilespmem:s10], [sflag:$0x7] =	stream.linear.gather [hbm4b:s12+s2], $0x80, $0x38;
	[tilespmem:$0x12480] =	vst v63  }
0x24: {  	[dreg:$0xc] =	wrdreg s11;
	s11 =	simm.s32 $0x400;
	s12 =	simm.s32 $0x7  }
0x25: {  	[tilespmem:s11], [sflag:$0x7] =	stream.linear.gather [hbm4b:s26+s2], $0x80, $0x38;
	[tilespmem:$0x12480] =	vst v63  }
0x26: {  	_ =	swait.ge [sflag:s12], $0x80  }
0x27: {  	[sflag:s12] =	ssyncset.done $0x0  }
0x28: {  	[sflag:s12] =	ssyncadd.s32 $0xFFFFFF80  }
0x29: {  	_ =	swait.ge [sflag:s12], $0x80  }
0x2a: {  	[sflag:s12] =	ssyncset.done $0x0  }
0x2b: {  	[sflag:s12] =	ssyncadd.s32 $0xFFFFFF80  }
0x2c: {  	_ =	swait.ge [sflag:s12], $0x80  }
0x2d: {  	[sflag:s12] =	ssyncset.done $0x0  }
0x2e: {  	[sflag:s12] =	ssyncadd.s32 $0xFFFFFF80  }
0x2f: {  	_ =	swait.ge [sflag:s12], $0x80  }
0x30: {  	[sflag:s12] =	ssyncset.done $0x0  }
0x31: {  	[sflag:s12] =	ssyncadd.s32 $0xFFFFFF80  }
0x32: {  	_ =	swait.ge [sflag:s12], $0x80  }
0x33: {  	[sflag:s12] =	ssyncset.done $0x0  }
0x34: {  	[sflag:s12] =	ssyncadd.s32 $0xFFFFFF80  }
0x35: {  	_ =	swait.ge [sflag:s12], $0x80  }
0x36: {  	[sflag:s12] =	ssyncset.done $0x0  }
0x37: {  	[sflag:s12] =	ssyncadd.s32 $0xFFFFFF80  }
0x38: {  	_ =	swait.ge [sflag:s12], $0x80  }
0x39: {  	[sflag:s12] =	ssyncset.done $0x0  }
0x3a: {  	[sflag:s12] =	ssyncadd.s32 $0xFFFFFF80  }
0x3b: {  	_ =	swait.ge [sflag:s12], $0x80  }
0x3c: {  	[sflag:s12] =	ssyncset.done $0x0  }
0x3d: {  	[sflag:s12] =	ssyncadd.s32 $0xFFFFFF80  }
0x3e: {  	s14 =	smul.u32 $0x6000, s14;
	_ =	swait.ge [sflag:s12], $0x80  }
0x3f: {  	[sflag:s12] =	ssyncset.done $0x0  }
0x40: {  	s13 =	sadd.s32 s13, s14;
	s14 =	simm.s32 $0x480;
	[sflag:s12] =	ssyncadd.s32 $0xFFFFFF80  }
0x41: {  	[tilespmem:s14], [sflag:$0x1] =	stream.indirect.gather [hbm4b:s13+s4], $0xC0, s2, s4, $0xb8;
	[tilespmem:$0x12480] =	vst v63  }
0x42: {  	s3 =	smov.u32 s15;
	s15 =	simm.s32 $0x6480  }
0x43: {  	[tilespmem:s15], [sflag:$0x2] =	stream.indirect.gather [hbm4b:s13+s4], $0xC0, s4, s4, $0xb8;
	[tilespmem:$0x12480] =	vst v63  }
0x44: {  	s16 =	simm.s32 $0xC480;
	s17 =	simm.s32 $0x1  }
0x45: {  	[tilespmem:s16], [sflag:$0x3] =	stream.indirect.gather [hbm4b:s13+s4], $0xC0, s5, s4, $0xb8;
	[tilespmem:$0x12480] =	vst v63  }
0x46: {  	_ =	swait.ge [sflag:s17], $0x6000  }
0x47: {  	s18 =	simm.s32 $0xC0;
	[sflag:s17] =	ssyncset.done $0x0  }
0x48: {  	s19 =	simm.s32 $0x4;
	s20 =	rddreg [dreg:$0xb];
	[sflag:s17] =	ssyncadd.s32 $0xFFFFA000  }
0x49: {  	[hbm4b:s20+s18] =	stream.strided.scatter [tilespmem:s14], [sflag:$0x4], $0x6000, s9, s18, $0x38;
	[tilespmem:$0x12480] =	vst v63  }
0x4a: {  	_ =	swait.ge [sflag:s19], $0x6000  }
0x4b: {  	[sflag:s19] =	ssyncset.done $0x0  }
0x4c: {  	s20 =	simm.s32 $0x2;
	[sflag:s19] =	ssyncadd.s32 $0xFFFFA000  }
0x4d: {  	[tilespmem:s14], [sflag:$0x1] =	stream.indirect.gather [hbm4b:s13+s4], $0xC0, s6, s4, $0xb8;
	[tilespmem:$0x12480] =	vst v63  }
0x4e: {  	_ =	swait.ge [sflag:s20], $0x6000  }
0x4f: {  	[sflag:s20] =	ssyncset.done $0x0  }
0x50: {  	s21 =	simm.s32 $0x5;
	s22 =	rddreg [dreg:$0xc];
	[sflag:s20] =	ssyncadd.s32 $0xFFFFA000  }
0x51: {  	[hbm4b:s22+s18] =	stream.strided.scatter [tilespmem:s15], [sflag:$0x5], $0x6000, s9, s18, $0x38;
	[tilespmem:$0x12480] =	vst v63  }
0x52: {  	_ =	swait.ge [sflag:s21], $0x6000  }
0x53: {  	[sflag:s21] =	ssyncset.done $0x0  }
0x54: {  	s22 =	simm.s32 $0x3;
	[sflag:s21] =	ssyncadd.s32 $0xFFFFA000  }
0x55: {  	[tilespmem:s15], [sflag:$0x2] =	stream.indirect.gather [hbm4b:s13+s4], $0xC0, s7, s4, $0xb8;
	[tilespmem:$0x12480] =	vst v63  }
0x56: {  	s23 =	sadd.s32 $0x30000, s0;
	_ =	swait.ge [sflag:s22], $0x6000  }
0x57: {  	s23 =	sshrl.u32 s23, $0x3;
	[sflag:s22] =	ssyncset.done $0x0  }
0x58: {  	s23 =	sadd.s32 s3, s23;
	s24 =	simm.s32 $0x6;
	[sflag:s22] =	ssyncadd.s32 $0xFFFFA000  }
0x59: {  	[hbm4b:s23+s18] =	stream.strided.scatter [tilespmem:s16], [sflag:$0x6], $0x6000, s9, s18, $0x38;
	[tilespmem:$0x12480] =	vst v63  }
0x5a: {  	_ =	swait.ge [sflag:s24], $0x6000  }
0x5b: {  	[sflag:s24] =	ssyncset.done $0x0  }
0x5c: {  	[sflag:s24] =	ssyncadd.s32 $0xFFFFA000  }
0x5d: {  	[tilespmem:s16], [sflag:$0x3] =	stream.indirect.gather [hbm4b:s13+s4], $0xC0, s8, s4, $0xb8;
	[tilespmem:$0x12480] =	vst v63  }
0x5e: {  	s25 =	sadd.s32 $0x48000, s0;
	_ =	swait.ge [sflag:s17], $0x6000  }
0x5f: {  	s25 =	sshrl.u32 s25, $0x3;
	[sflag:s17] =	ssyncset.done $0x0  }
0x60: {  	s25 =	sadd.s32 s3, s25;
	[sflag:s17] =	ssyncadd.s32 $0xFFFFA000  }
0x61: {  	[hbm4b:s25+s18] =	stream.strided.scatter [tilespmem:s14], [sflag:$0x4], $0x6000, s9, s18, $0x38;
	[tilespmem:$0x12480] =	vst v63  }
0x62: {  	_ =	swait.ge [sflag:s19], $0x6000  }
0x63: {  	[sflag:s19] =	ssyncset.done $0x0  }
0x64: {  	[sflag:s19] =	ssyncadd.s32 $0xFFFFA000  }
0x65: {  	[tilespmem:s14], [sflag:$0x1] =	stream.indirect.gather [hbm4b:s13+s4], $0xC0, s9, s4, $0xb8;
	[tilespmem:$0x12480] =	vst v63  }
0x66: {  	s26 =	sadd.s32 $0x60000, s0;
	_ =	swait.ge [sflag:s20], $0x6000  }
0x67: {  	s26 =	sshrl.u32 s26, $0x3;
	[sflag:s20] =	ssyncset.done $0x0  }
0x68: {  	s26 =	sadd.s32 s3, s26;
	[sflag:s20] =	ssyncadd.s32 $0xFFFFA000  }
0x69: {  	[hbm4b:s26+s18] =	stream.strided.scatter [tilespmem:s15], [sflag:$0x5], $0x6000, s9, s18, $0x38;
	[tilespmem:$0x12480] =	vst v63  }
0x6a: {  	_ =	swait.ge [sflag:s21], $0x6000  }
0x6b: {  	[sflag:s21] =	ssyncset.done $0x0  }
0x6c: {  	[sflag:s21] =	ssyncadd.s32 $0xFFFFA000  }
0x6d: {  	[tilespmem:s15], [sflag:$0x2] =	stream.indirect.gather [hbm4b:s13+s4], $0xC0, s10, s4, $0xb8;
	[tilespmem:$0x12480] =	vst v63  }
0x6e: {  	s28 =	sadd.s32 $0x78000, s0;
	_ =	swait.ge [sflag:s22], $0x6000  }
0x6f: {  	s28 =	sshrl.u32 s28, $0x3;
	[sflag:s22] =	ssyncset.done $0x0  }
0x70: {  	s28 =	sadd.s32 s3, s28;
	[sflag:s22] =	ssyncadd.s32 $0xFFFFA000  }
0x71: {  	[hbm4b:s28+s18] =	stream.strided.scatter [tilespmem:s16], [sflag:$0x6], $0x6000, s9, s18, $0x38;
	[tilespmem:$0x12480] =	vst v63  }
0x72: {  	_ =	swait.ge [sflag:s24], $0x6000  }
0x73: {  	[sflag:s24] =	ssyncset.done $0x0  }
0x74: {  	[sflag:s24] =	ssyncadd.s32 $0xFFFFA000  }
0x75: {  	[tilespmem:s16], [sflag:$0x3] =	stream.indirect.gather [hbm4b:s13+s4], $0xC0, s11, s4, $0xb8;
	[tilespmem:$0x12480] =	vst v63  }
0x76: {  	s29 =	sadd.s32 $0x90000, s0;
	_ =	swait.ge [sflag:s17], $0x6000  }
0x77: {  	s29 =	sshrl.u32 s29, $0x3;
	[sflag:s17] =	ssyncset.done $0x0  }
0x78: {  	s29 =	sadd.s32 s3, s29;
	[sflag:s17] =	ssyncadd.s32 $0xFFFFA000  }
0x79: {  	[hbm4b:s29+s18] =	stream.strided.scatter [tilespmem:s14], [sflag:$0x4], $0x6000, s9, s18, $0x38;
	[tilespmem:$0x12480] =	vst v63  }
0x7a: {  	_ =	swait.ge [sflag:s19], $0x6000  }
0x7b: {  	[sflag:s19] =	ssyncset.done $0x0  }
0x7c: {  	[sflag:s19] =	ssyncadd.s32 $0xFFFFA000  }
0x7d: {  	s30 =	sadd.s32 $0xA8000, s0;
	_ =	swait.ge [sflag:s20], $0x6000  }
0x7e: {  	s30 =	sshrl.u32 s30, $0x3;
	[sflag:s20] =	ssyncset.done $0x0  }
0x7f: {  	s1 =	ssub.s32 $0x2, s1;
	s30 =	sadd.s32 s3, s30;
	[sflag:s20] =	ssyncadd.s32 $0xFFFFA000  }
0x80: {  	[hbm4b:s30+s18] =	stream.strided.scatter [tilespmem:s15], [sflag:$0x5], $0x6000, s9, s18, $0x38;
	[tilespmem:$0x12480] =	vst v63  }
0x81: {  	s31 =	sshrl.u32 s1, $0x1;
	s0 =	sadd.s32 $0xC0000, s0;
	_ =	swait.ge [sflag:s21], $0x6000  }
0x82: {  	s1 =	ssub.s32 s1, s31;
	s0 =	sshrl.u32 s0, $0x3;
	[sflag:s21] =	ssyncset.done $0x0  }
0x83: {  	s31 =	sadd.s32 s3, s0;
	s3 =	smax.u32 s1, $0x1;
	[sflag:s21] =	ssyncadd.s32 $0xFFFFA000  }
0x84: {  	p0 =	sne.s32 s3, $0x1;
	_ =	swait.ge [sflag:s22], $0x6000  }
.Ltmp0:
0x85: {  	[sflag:s22] =	ssyncset.done $0x0;
	(pc) =	sbr.rel @!p0 .LBB2_2-.Ltmp0, $4  }
0x86: {  	[sflag:s22] =	ssyncadd.s32 $0xFFFFA000  }
0x87: {  	[hbm4b:s31+s18] =	stream.strided.scatter [tilespmem:s16], [sflag:$0x6], $0x6000, s9, s18, $0x38;
	[tilespmem:$0x12480] =	vst v63  }
0x88: {  	_ =	swait.ge [sflag:s24], $0x6000  }
0x89: {  	s1 =	sadd.s32 $0xFFFFFFFF, s3;
	[sflag:s24] =	ssyncset.done $0x0  }
.LBB2_1:
0x8a: {  	[sflag:s24] =	ssyncadd.s32 $0xFFFFA000;
	s3 =	rddreg [dreg:$0xd]  }
0x8b: {  	[tilespmem:s2], [sflag:$0x7] =	stream.linear.gather [hbm4b:s3+s2], $0x80, $0x38;
	[tilespmem:$0x12480] =	vst v63  }
0x8c: {  	s0 =	rddreg [dreg:$0x3]  }
0x8d: {  	[tilespmem:s4], [sflag:$0x7] =	stream.linear.gather [hbm4b:s0+s2], $0x80, $0x38;
	[tilespmem:$0x12480] =	vst v63  }
0x8e: {  	s3 =	rddreg [dreg:$0x4]  }
0x8f: {  	[tilespmem:s5], [sflag:$0x7] =	stream.linear.gather [hbm4b:s3+s2], $0x80, $0x38;
	[tilespmem:$0x12480] =	vst v63  }
0x90: {  	s0 =	rddreg [dreg:$0x5]  }
0x91: {  	[tilespmem:s6], [sflag:$0x7] =	stream.linear.gather [hbm4b:s0+s2], $0x80, $0x38;
	[tilespmem:$0x12480] =	vst v63  }
0x92: {  	s3 =	rddreg [dreg:$0x6]  }
0x93: {  	[tilespmem:s7], [sflag:$0x7] =	stream.linear.gather [hbm4b:s3+s2], $0x80, $0x38;
	[tilespmem:$0x12480] =	vst v63  }
0x94: {  	s0 =	rddreg [dreg:$0x7]  }
0x95: {  	[tilespmem:s8], [sflag:$0x7] =	stream.linear.gather [hbm4b:s0+s2], $0x80, $0x38;
	[tilespmem:$0x12480] =	vst v63  }
0x96: {  	s3 =	rddreg [dreg:$0x8]  }
0x97: {  	[tilespmem:s9], [sflag:$0x7] =	stream.linear.gather [hbm4b:s3+s2], $0x80, $0x38;
	[tilespmem:$0x12480] =	vst v63  }
0x98: {  	s0 =	rddreg [dreg:$0x9]  }
0x99: {  	[tilespmem:s10], [sflag:$0x7] =	stream.linear.gather [hbm4b:s0+s2], $0x80, $0x38;
	[tilespmem:$0x12480] =	vst v63  }
0x9a: {  	s3 =	rddreg [dreg:$0xa]  }
0x9b: {  	[tilespmem:s11], [sflag:$0x7] =	stream.linear.gather [hbm4b:s3+s2], $0x80, $0x38;
	[tilespmem:$0x12480] =	vst v63  }
0x9c: {  	_ =	swait.ge [sflag:s12], $0x80  }
0x9d: {  	[sflag:s12] =	ssyncset.done $0x0  }
0x9e: {  	[sflag:s12] =	ssyncadd.s32 $0xFFFFFF80  }
0x9f: {  	_ =	swait.ge [sflag:s12], $0x80  }
0xa0: {  	[sflag:s12] =	ssyncset.done $0x0  }
0xa1: {  	[sflag:s12] =	ssyncadd.s32 $0xFFFFFF80  }
0xa2: {  	_ =	swait.ge [sflag:s12], $0x80  }
0xa3: {  	[sflag:s12] =	ssyncset.done $0x0  }
0xa4: {  	[sflag:s12] =	ssyncadd.s32 $0xFFFFFF80  }
0xa5: {  	_ =	swait.ge [sflag:s12], $0x80  }
0xa6: {  	[sflag:s12] =	ssyncset.done $0x0  }
0xa7: {  	[sflag:s12] =	ssyncadd.s32 $0xFFFFFF80  }
0xa8: {  	_ =	swait.ge [sflag:s12], $0x80  }
0xa9: {  	[sflag:s12] =	ssyncset.done $0x0  }
0xaa: {  	[sflag:s12] =	ssyncadd.s32 $0xFFFFFF80  }
0xab: {  	_ =	swait.ge [sflag:s12], $0x80  }
0xac: {  	[sflag:s12] =	ssyncset.done $0x0  }
0xad: {  	[sflag:s12] =	ssyncadd.s32 $0xFFFFFF80  }
0xae: {  	_ =	swait.ge [sflag:s12], $0x80  }
0xaf: {  	[sflag:s12] =	ssyncset.done $0x0  }
0xb0: {  	[sflag:s12] =	ssyncadd.s32 $0xFFFFFF80  }
0xb1: {  	_ =	swait.ge [sflag:s12], $0x80  }
0xb2: {  	[sflag:s12] =	ssyncset.done $0x0  }
0xb3: {  	[sflag:s12] =	ssyncadd.s32 $0xFFFFFF80  }
0xb4: {  	_ =	swait.ge [sflag:s12], $0x80  }
0xb5: {  	[sflag:s12] =	ssyncset.done $0x0  }
0xb6: {  	[sflag:s12] =	ssyncadd.s32 $0xFFFFFF80  }
0xb7: {  	[tilespmem:s14], [sflag:$0x1] =	stream.indirect.gather [hbm4b:s13+s4], $0xC0, s2, s4, $0xb8;
	[tilespmem:$0x12480] =	vst v63  }
0xb8: {  	_ = 	snop  }
0xb9: {  	[tilespmem:s15], [sflag:$0x2] =	stream.indirect.gather [hbm4b:s13+s4], $0xC0, s4, s4, $0xb8;
	[tilespmem:$0x12480] =	vst v63  }
0xba: {  	_ = 	snop  }
0xbb: {  	[tilespmem:s16], [sflag:$0x3] =	stream.indirect.gather [hbm4b:s13+s4], $0xC0, s5, s4, $0xb8;
	[tilespmem:$0x12480] =	vst v63  }
0xbc: {  	_ =	swait.ge [sflag:s17], $0x6000  }
0xbd: {  	[sflag:s17] =	ssyncset.done $0x0  }
0xbe: {  	s3 =	rddreg [dreg:$0xb];
	[sflag:s17] =	ssyncadd.s32 $0xFFFFA000  }
0xbf: {  	[hbm4b:s3+s18] =	stream.strided.scatter [tilespmem:s14], [sflag:$0x4], $0x6000, s9, s18, $0x38;
	[tilespmem:$0x12480] =	vst v63  }
0xc0: {  	_ =	swait.ge [sflag:s19], $0x6000  }
0xc1: {  	[sflag:s19] =	ssyncset.done $0x0  }
0xc2: {  	[sflag:s19] =	ssyncadd.s32 $0xFFFFA000  }
0xc3: {  	[tilespmem:s14], [sflag:$0x1] =	stream.indirect.gather [hbm4b:s13+s4], $0xC0, s6, s4, $0xb8;
	[tilespmem:$0x12480] =	vst v63  }
0xc4: {  	_ =	swait.ge [sflag:s20], $0x6000  }
0xc5: {  	[sflag:s20] =	ssyncset.done $0x0  }
0xc6: {  	s3 =	rddreg [dreg:$0xc];
	[sflag:s20] =	ssyncadd.s32 $0xFFFFA000  }
0xc7: {  	[hbm4b:s3+s18] =	stream.strided.scatter [tilespmem:s15], [sflag:$0x5], $0x6000, s9, s18, $0x38;
	[tilespmem:$0x12480] =	vst v63  }
0xc8: {  	_ =	swait.ge [sflag:s21], $0x6000  }
0xc9: {  	[sflag:s21] =	ssyncset.done $0x0  }
0xca: {  	[sflag:s21] =	ssyncadd.s32 $0xFFFFA000  }
0xcb: {  	[tilespmem:s15], [sflag:$0x2] =	stream.indirect.gather [hbm4b:s13+s4], $0xC0, s7, s4, $0xb8;
	[tilespmem:$0x12480] =	vst v63  }
0xcc: {  	_ =	swait.ge [sflag:s22], $0x6000  }
0xcd: {  	[sflag:s22] =	ssyncset.done $0x0  }
0xce: {  	[sflag:s22] =	ssyncadd.s32 $0xFFFFA000  }
0xcf: {  	[hbm4b:s23+s18] =	stream.strided.scatter [tilespmem:s16], [sflag:$0x6], $0x6000, s9, s18, $0x38;
	[tilespmem:$0x12480] =	vst v63  }
0xd0: {  	_ =	swait.ge [sflag:s24], $0x6000  }
0xd1: {  	[sflag:s24] =	ssyncset.done $0x0  }
0xd2: {  	[sflag:s24] =	ssyncadd.s32 $0xFFFFA000  }
0xd3: {  	[tilespmem:s16], [sflag:$0x3] =	stream.indirect.gather [hbm4b:s13+s4], $0xC0, s8, s4, $0xb8;
	[tilespmem:$0x12480] =	vst v63  }
0xd4: {  	_ =	swait.ge [sflag:s17], $0x6000  }
0xd5: {  	[sflag:s17] =	ssyncset.done $0x0  }
0xd6: {  	[sflag:s17] =	ssyncadd.s32 $0xFFFFA000  }
0xd7: {  	[hbm4b:s25+s18] =	stream.strided.scatter [tilespmem:s14], [sflag:$0x4], $0x6000, s9, s18, $0x38;
	[tilespmem:$0x12480] =	vst v63  }
0xd8: {  	_ =	swait.ge [sflag:s19], $0x6000  }
0xd9: {  	[sflag:s19] =	ssyncset.done $0x0  }
0xda: {  	[sflag:s19] =	ssyncadd.s32 $0xFFFFA000  }
0xdb: {  	[tilespmem:s14], [sflag:$0x1] =	stream.indirect.gather [hbm4b:s13+s4], $0xC0, s9, s4, $0xb8;
	[tilespmem:$0x12480] =	vst v63  }
0xdc: {  	_ =	swait.ge [sflag:s20], $0x6000  }
0xdd: {  	[sflag:s20] =	ssyncset.done $0x0  }
0xde: {  	[sflag:s20] =	ssyncadd.s32 $0xFFFFA000  }
0xdf: {  	[hbm4b:s26+s18] =	stream.strided.scatter [tilespmem:s15], [sflag:$0x5], $0x6000, s9, s18, $0x38;
	[tilespmem:$0x12480] =	vst v63  }
0xe0: {  	_ =	swait.ge [sflag:s21], $0x6000  }
0xe1: {  	[sflag:s21] =	ssyncset.done $0x0  }
0xe2: {  	[sflag:s21] =	ssyncadd.s32 $0xFFFFA000  }
0xe3: {  	[tilespmem:s15], [sflag:$0x2] =	stream.indirect.gather [hbm4b:s13+s4], $0xC0, s10, s4, $0xb8;
	[tilespmem:$0x12480] =	vst v63  }
0xe4: {  	_ =	swait.ge [sflag:s22], $0x6000  }
0xe5: {  	[sflag:s22] =	ssyncset.done $0x0  }
0xe6: {  	[sflag:s22] =	ssyncadd.s32 $0xFFFFA000  }
0xe7: {  	[hbm4b:s28+s18] =	stream.strided.scatter [tilespmem:s16], [sflag:$0x6], $0x6000, s9, s18, $0x38;
	[tilespmem:$0x12480] =	vst v63  }
0xe8: {  	_ =	swait.ge [sflag:s24], $0x6000  }
0xe9: {  	[sflag:s24] =	ssyncset.done $0x0  }
0xea: {  	[sflag:s24] =	ssyncadd.s32 $0xFFFFA000  }
0xeb: {  	[tilespmem:s16], [sflag:$0x3] =	stream.indirect.gather [hbm4b:s13+s4], $0xC0, s11, s4, $0xb8;
	[tilespmem:$0x12480] =	vst v63  }
0xec: {  	_ =	swait.ge [sflag:s17], $0x6000  }
0xed: {  	[sflag:s17] =	ssyncset.done $0x0  }
0xee: {  	[sflag:s17] =	ssyncadd.s32 $0xFFFFA000  }
0xef: {  	[hbm4b:s29+s18] =	stream.strided.scatter [tilespmem:s14], [sflag:$0x4], $0x6000, s9, s18, $0x38;
	[tilespmem:$0x12480] =	vst v63  }
0xf0: {  	_ =	swait.ge [sflag:s19], $0x6000  }
0xf1: {  	[sflag:s19] =	ssyncset.done $0x0  }
0xf2: {  	[sflag:s19] =	ssyncadd.s32 $0xFFFFA000  }
0xf3: {  	_ =	swait.ge [sflag:s20], $0x6000  }
0xf4: {  	[sflag:s20] =	ssyncset.done $0x0  }
0xf5: {  	[sflag:s20] =	ssyncadd.s32 $0xFFFFA000  }
0xf6: {  	[hbm4b:s30+s18] =	stream.strided.scatter [tilespmem:s15], [sflag:$0x5], $0x6000, s9, s18, $0x38;
	[tilespmem:$0x12480] =	vst v63  }
0xf7: {  	_ =	swait.ge [sflag:s21], $0x6000  }
0xf8: {  	[sflag:s21] =	ssyncset.done $0x0  }
0xf9: {  	[sflag:s21] =	ssyncadd.s32 $0xFFFFA000  }
0xfa: {  	p0 =	sne.s32 s1, $0x1;
	_ =	swait.ge [sflag:s22], $0x6000  }
.Ltmp1:
0xfb: {  	[sflag:s22] =	ssyncset.done $0x0;
	(pc) =	sbr.rel @p0 .LBB2_1-.Ltmp1, $4  }
0xfc: {  	[sflag:s22] =	ssyncadd.s32 $0xFFFFA000  }
0xfd: {  	[hbm4b:s31+s18] =	stream.strided.scatter [tilespmem:s16], [sflag:$0x6], $0x6000, s9, s18, $0x38;
	[tilespmem:$0x12480] =	vst v63  }
0xfe: {  	_ =	swait.ge [sflag:s24], $0x6000  }
0xff: {  	s1 =	sadd.s32 $0xFFFFFFFF, s1;
	[sflag:s24] =	ssyncset.done $0x0  }
.LBB2_2:
0x100: {  	[sflag:s24] =	ssyncadd.s32 $0xFFFFA000  }
0x101: {  	_ =	sfence.sel $0x180000  }
0x102: {  	[bflag:$0x0] =	sbarrier.arrive $0xFFFF  }
0x103: {  	_ =	strace $0x90000047  }
0x104: {  	s0 =	stileid.u32;
	[bflag:$0x2] =	sbarrier.arrive $0xFFFF  }
0x105: {  	p0 =	sne.s32 s0, $0x0;
	s0 =	rddreg [dreg:$0x2]  }
0x106: {  	s0 =	sadd.s32 @!p0 $0x100000, s0  }
0x107: {  	[sflag:s0] =	ssyncadd.tile.s32 @!p0 $0x1;
	_ =	shalt  }
.Lfunc_end2:
_tile_overlayer_lowered:
.L_overlay_start_2:
0x108: {  	(tag) =	ssettag $0x2  }
0x109: {  	s0 =	rddreg [dreg:$0x0];
	s2 =	stileid.u32  }
0x10a: {  	s1 =	rddreg [dreg:$0x1];
	p0 =	sne.s32 s2, $0x0  }
0x10b: {  	s3 =	rddreg [dreg:$0x2];
	[bflag:$0x3] =	sbarrier.arrive $0xFFFF;
	s2 =	simm.s32 @!p0 $0x1C08  }
0x10c: {  	[timem:s3], [sflag:s2] =	dma.local @!p0 [hbm:s0], s1  }
0x10d: {  	s0 =	simm.s32 @!p0 $0x8  }
0x10e: {  	_ =	swait.ge @!p0 [sflag:s0], s1  }
0x10f: {  	s1 =	ssub.s32 @!p0 $0x0, s1;
	[sflag:s0] =	ssyncset.done @!p0 $0x0  }
0x110: {  	[sflag:s0] =	ssyncadd.s32 @!p0 s1  }
0x111: {  	[bflag:$0x3] =	sbarrier.arrive $0xFFFF  }
0x112: {  	_ =	shalt  }

</sc_bundles>
